<compile_context>
chip_gen: v7x
topology: tpu7x:2x2x1
jax: 0.10.2.dev20260603
libtpu: 0.0.44.dev20260713+nightly
codegen_flags: <defaults>
</compile_context>

<pallas_src>
import functools

import jax
import jax.numpy as jnp
from jax import lax
from jax.experimental import pallas as pl
from jax.experimental.pallas import tpu as pltpu
from jax.experimental.pallas import tpu_sc as plsc

NUM_CORES = 2
NUM_SUBCORES = 16
LANES = 16
NUM_WORKERS = NUM_CORES * NUM_SUBCORES

BATCH = 16384
EMBED_DIM = 64
ROWS_PER_WORKER = BATCH // NUM_WORKERS
CHUNKS = EMBED_DIM // LANES


def _dist_mult_body(head_hbm, rel_hbm, tail_hbm, ent_hbm, relemb_hbm,
                    out_hbm, hidx_v, ridx_v, tidx_v, h_rows, r_rows, t_rows,
                    part_v, out_v, sem):
    wid = lax.axis_index("s") * NUM_CORES + lax.axis_index("c")
    base = wid * ROWS_PER_WORKER

    pltpu.sync_copy(head_hbm.at[pl.ds(base, ROWS_PER_WORKER)], hidx_v)
    pltpu.sync_copy(rel_hbm.at[pl.ds(base, ROWS_PER_WORKER)], ridx_v)
    pltpu.sync_copy(tail_hbm.at[pl.ds(base, ROWS_PER_WORKER)], tidx_v)

    c1 = pltpu.async_copy(ent_hbm.at[hidx_v], h_rows, sem)
    c2 = pltpu.async_copy(relemb_hbm.at[ridx_v], r_rows, sem)
    c3 = pltpu.async_copy(ent_hbm.at[tidx_v], t_rows, sem)
    c1.wait()
    c2.wait()
    c3.wait()

    def row_body(b, _):
        acc = (h_rows[b, pl.ds(0, LANES)] * r_rows[b, pl.ds(0, LANES)]
               * t_rows[b, pl.ds(0, LANES)])
        for c in range(1, CHUNKS):
            acc = acc + (h_rows[b, pl.ds(c * LANES, LANES)]
                         * r_rows[b, pl.ds(c * LANES, LANES)]
                         * t_rows[b, pl.ds(c * LANES, LANES)])
        part_v[pl.ds(b * LANES, LANES)] = acc
        return _

    lax.fori_loop(0, ROWS_PER_WORKER, row_body, 0, unroll=4)

    lane_iota = lax.iota(jnp.int32, LANES)

    def red_body(g, _):
        flat_base = (g * LANES + lane_iota) * LANES
        acc = plsc.load_gather(part_v, [flat_base])
        for j in range(1, LANES):
            acc = acc + plsc.load_gather(part_v, [flat_base + j])
        out_v[pl.ds(g * LANES, LANES)] = acc
        return _

    lax.fori_loop(0, ROWS_PER_WORKER // LANES, red_body, 0, unroll=2)

    pltpu.sync_copy(out_v, out_hbm.at[pl.ds(base, ROWS_PER_WORKER)])


@functools.partial(jax.jit, static_argnames=())
def kernel(head, relation, tail, entity_emb, relation_emb):
    mesh = plsc.VectorSubcoreMesh(core_axis_name="c", subcore_axis_name="s")
    run = pl.kernel(
        _dist_mult_body,
        out_type=jax.ShapeDtypeStruct((BATCH,), jnp.float32),
        mesh=mesh,
        scratch_types=[
            pltpu.VMEM((ROWS_PER_WORKER,), jnp.int32),
            pltpu.VMEM((ROWS_PER_WORKER,), jnp.int32),
            pltpu.VMEM((ROWS_PER_WORKER,), jnp.int32),
            pltpu.VMEM((ROWS_PER_WORKER, EMBED_DIM), jnp.float32),
            pltpu.VMEM((ROWS_PER_WORKER, EMBED_DIM), jnp.float32),
            pltpu.VMEM((ROWS_PER_WORKER, EMBED_DIM), jnp.float32),
            pltpu.VMEM((ROWS_PER_WORKER * LANES,), jnp.float32),
            pltpu.VMEM((ROWS_PER_WORKER,), jnp.float32),
            pltpu.SemaphoreType.DMA,
        ],
        compiler_params=pltpu.CompilerParams(needs_layout_passes=False,
                                             use_tc_tiling_on_sc=False),
    )
    return run(head.astype(jnp.int32), relation.astype(jnp.int32),
               tail.astype(jnp.int32), entity_emb, relation_emb)

# --- scband reference (transcript-rebuilt; emitter-appended) ---
"""Pipeline reference for scband-dist-mult-15719580303563 (READ-ONLY COPY).

The authoritative reference and input builder live on the scoring server;
editing this copy changes nothing except your own understanding.
"""

import jax, jax.numpy as jnp
import numpy as np

NUM_ENTITIES = 1000000
NUM_RELATIONS = 1000
EMBED_DIM = 64
BATCH = 16384

def setup_inputs(seed: int = 0) -> dict:
    key = jax.random.key(seed)
    k1, k2, k3, k4, k5 = jax.random.split(key, 5)
    head = jax.random.randint(k1, (BATCH,), 0, NUM_ENTITIES, dtype=jnp.int64 if jax.config.jax_enable_x64 else jnp.int32)
    relation = jax.random.randint(k2, (BATCH,), 0, NUM_RELATIONS, dtype=jnp.int64 if jax.config.jax_enable_x64 else jnp.int32)
    tail = jax.random.randint(k3, (BATCH,), 0, NUM_ENTITIES, dtype=jnp.int64 if jax.config.jax_enable_x64 else jnp.int32)
    entity_emb = jax.random.normal(k4, (NUM_ENTITIES, EMBED_DIM), dtype=jnp.float32)
    relation_emb = jax.random.normal(k5, (NUM_RELATIONS, EMBED_DIM), dtype=jnp.float32)
    return {"head": head, "relation": relation, "tail": tail, "entity_emb": entity_emb, "relation_emb": relation_emb}

def reference(head, relation, tail, entity_emb, relation_emb):
    h = jnp.take(entity_emb, head, axis=0)
    r = jnp.take(relation_emb, relation, axis=0)
    t = jnp.take(entity_emb, tail, axis=0)
    return jnp.sum(h * r * t, axis=1)

if __name__ == "__main__":
    import jax
    _d = setup_inputs()
    print(jax.jit(kernel)(*tuple(_d.values())))

</pallas_src>

<mosaic_0001>
#map = affine_map<(d0, d1) -> (0)>
#map1 = affine_map<(d0, d1) -> (0, 0)>
module attributes {stable_mosaic.version = 14 : i64} {
  func.func @_dist_mult_body(%arg0: i32, %arg1: i32, %arg2: memref<16384xi32, #tpu.memory_space<hbm>>, %arg3: memref<16384xi32, #tpu.memory_space<hbm>>, %arg4: memref<16384xi32, #tpu.memory_space<hbm>>, %arg5: memref<1000000x64xf32, #tpu.memory_space<hbm>>, %arg6: memref<1000x64xf32, #tpu.memory_space<hbm>>, %arg7: memref<16384xf32, #tpu.memory_space<hbm>>, %arg8: memref<512xi32, #tpu.memory_space<vmem>>, %arg9: memref<512xi32, #tpu.memory_space<vmem>>, %arg10: memref<512xi32, #tpu.memory_space<vmem>>, %arg11: memref<512x64xf32, #tpu.memory_space<vmem>>, %arg12: memref<512x64xf32, #tpu.memory_space<vmem>>, %arg13: memref<512x64xf32, #tpu.memory_space<vmem>>, %arg14: memref<8192xf32, #tpu.memory_space<vmem>>, %arg15: memref<512xf32, #tpu.memory_space<vmem>>, %arg16: memref<!tpu.dma_semaphore, #tpu.memory_space<semaphore_mem>>) attributes {dimension_semantics = [#tpu.dimension_semantics<core_parallel>, #tpu.dimension_semantics<subcore_parallel>], iteration_bounds = array<i64: 2, 16>, scalar_prefetch = 0 : i64, scratch_operands = 9 : i64, tpu.core_type = #tpu.core_type<sc_vector_subcore>, window_params = [{transform_indices = #map}, {transform_indices = #map}, {transform_indices = #map}, {transform_indices = #map1}, {transform_indices = #map1}, {transform_indices = #map}]} {
    %mul3A = arith.constant 2 : i32
    %mul3A_0 = arith.muli %arg1, %mul3A : i32
    %add3A = arith.addi %mul3A_0, %arg0 : i32
    %mul3A_1 = arith.constant 512 : i32
    %mul3A_2 = arith.muli %add3A, %mul3A_1 : i32
    "tpu.region"() ({
      %run_scoped3A = tpu.sem_alloc : memref<!tpu.dma_semaphore, #tpu.memory_space<semaphore_mem>>
      %dma_start3A_30 = tpu.memref_slice %arg2[%mul3A_2] : memref<16384xi32, #tpu.memory_space<hbm>> -> memref<512xi32, #tpu.memory_space<hbm>>
      %dma_start3A_31 = tpu.memref_slice %arg2[%mul3A_2] : memref<16384xi32, #tpu.memory_space<hbm>> -> memref<512xi32, #tpu.memory_space<hbm>>
      tpu.enqueue_dma source(%dma_start3A_31 : memref<512xi32, #tpu.memory_space<hbm>>) target(%arg8 : memref<512xi32, #tpu.memory_space<vmem>>) target_semaphore(%run_scoped3A : memref<!tpu.dma_semaphore, #tpu.memory_space<semaphore_mem>>)
      %dma_wait3A_32 = tpu.memref_slice %arg2[%mul3A_2] : memref<16384xi32, #tpu.memory_space<hbm>> -> memref<512xi32, #tpu.memory_space<hbm>>
      %dma_wait3A_33 = tpu.memref_slice %arg2[%mul3A_2] : memref<16384xi32, #tpu.memory_space<hbm>> -> memref<512xi32, #tpu.memory_space<hbm>>
      tpu.wait_dma2 semaphore(%run_scoped3A : memref<!tpu.dma_semaphore, #tpu.memory_space<semaphore_mem>>) src(%dma_wait3A_33 : memref<512xi32, #tpu.memory_space<hbm>>) dst(%arg8 : memref<512xi32, #tpu.memory_space<vmem>>)
      tpu.yield
    }) : () -> ()
    "tpu.region"() ({
      %run_scoped3A = tpu.sem_alloc : memref<!tpu.dma_semaphore, #tpu.memory_space<semaphore_mem>>
      %dma_start3A_30 = tpu.memref_slice %arg3[%mul3A_2] : memref<16384xi32, #tpu.memory_space<hbm>> -> memref<512xi32, #tpu.memory_space<hbm>>
      %dma_start3A_31 = tpu.memref_slice %arg3[%mul3A_2] : memref<16384xi32, #tpu.memory_space<hbm>> -> memref<512xi32, #tpu.memory_space<hbm>>
      tpu.enqueue_dma source(%dma_start3A_31 : memref<512xi32, #tpu.memory_space<hbm>>) target(%arg9 : memref<512xi32, #tpu.memory_space<vmem>>) target_semaphore(%run_scoped3A : memref<!tpu.dma_semaphore, #tpu.memory_space<semaphore_mem>>)
      %dma_wait3A_32 = tpu.memref_slice %arg3[%mul3A_2] : memref<16384xi32, #tpu.memory_space<hbm>> -> memref<512xi32, #tpu.memory_space<hbm>>
      %dma_wait3A_33 = tpu.memref_slice %arg3[%mul3A_2] : memref<16384xi32, #tpu.memory_space<hbm>> -> memref<512xi32, #tpu.memory_space<hbm>>
      tpu.wait_dma2 semaphore(%run_scoped3A : memref<!tpu.dma_semaphore, #tpu.memory_space<semaphore_mem>>) src(%dma_wait3A_33 : memref<512xi32, #tpu.memory_space<hbm>>) dst(%arg9 : memref<512xi32, #tpu.memory_space<vmem>>)
      tpu.yield
    }) : () -> ()
    "tpu.region"() ({
      %run_scoped3A = tpu.sem_alloc : memref<!tpu.dma_semaphore, #tpu.memory_space<semaphore_mem>>
      %dma_start3A_30 = tpu.memref_slice %arg4[%mul3A_2] : memref<16384xi32, #tpu.memory_space<hbm>> -> memref<512xi32, #tpu.memory_space<hbm>>
      %dma_start3A_31 = tpu.memref_slice %arg4[%mul3A_2] : memref<16384xi32, #tpu.memory_space<hbm>> -> memref<512xi32, #tpu.memory_space<hbm>>
      tpu.enqueue_dma source(%dma_start3A_31 : memref<512xi32, #tpu.memory_space<hbm>>) target(%arg10 : memref<512xi32, #tpu.memory_space<vmem>>) target_semaphore(%run_scoped3A : memref<!tpu.dma_semaphore, #tpu.memory_space<semaphore_mem>>)
      %dma_wait3A_32 = tpu.memref_slice %arg4[%mul3A_2] : memref<16384xi32, #tpu.memory_space<hbm>> -> memref<512xi32, #tpu.memory_space<hbm>>
      %dma_wait3A_33 = tpu.memref_slice %arg4[%mul3A_2] : memref<16384xi32, #tpu.memory_space<hbm>> -> memref<512xi32, #tpu.memory_space<hbm>>
      tpu.wait_dma2 semaphore(%run_scoped3A : memref<!tpu.dma_semaphore, #tpu.memory_space<semaphore_mem>>) src(%dma_wait3A_33 : memref<512xi32, #tpu.memory_space<hbm>>) dst(%arg10 : memref<512xi32, #tpu.memory_space<vmem>>)
      tpu.yield
    }) : () -> ()
    %dma_start3A = arith.constant 0 : i32
    %dma_start3A_3 = arith.constant 0 : i32
    %dma_start3A_4 = tpu.memref_slice %arg5[%dma_start3A, %dma_start3A_3] : memref<1000000x64xf32, #tpu.memory_space<hbm>> -> memref<1000000x64xf32, #tpu.memory_space<hbm>>
    tpu.enqueue_indirect_dma source(%dma_start3A_4 : memref<1000000x64xf32, #tpu.memory_space<hbm>>) target(%arg11 : memref<512x64xf32, #tpu.memory_space<vmem>>) offsets(%arg8 : memref<512xi32, #tpu.memory_space<vmem>>) semaphore(%arg16 : memref<!tpu.dma_semaphore, #tpu.memory_space<semaphore_mem>>)
    %dma_start3A_5 = arith.constant 0 : i32
    %dma_start3A_6 = arith.constant 0 : i32
    %dma_start3A_7 = tpu.memref_slice %arg6[%dma_start3A_5, %dma_start3A_6] : memref<1000x64xf32, #tpu.memory_space<hbm>> -> memref<1000x64xf32, #tpu.memory_space<hbm>>
    tpu.enqueue_indirect_dma source(%dma_start3A_7 : memref<1000x64xf32, #tpu.memory_space<hbm>>) target(%arg12 : memref<512x64xf32, #tpu.memory_space<vmem>>) offsets(%arg9 : memref<512xi32, #tpu.memory_space<vmem>>) semaphore(%arg16 : memref<!tpu.dma_semaphore, #tpu.memory_space<semaphore_mem>>)
    %dma_start3A_8 = arith.constant 0 : i32
    %dma_start3A_9 = arith.constant 0 : i32
    %dma_start3A_10 = tpu.memref_slice %arg5[%dma_start3A_8, %dma_start3A_9] : memref<1000000x64xf32, #tpu.memory_space<hbm>> -> memref<1000000x64xf32, #tpu.memory_space<hbm>>
    tpu.enqueue_indirect_dma source(%dma_start3A_10 : memref<1000000x64xf32, #tpu.memory_space<hbm>>) target(%arg13 : memref<512x64xf32, #tpu.memory_space<vmem>>) offsets(%arg10 : memref<512xi32, #tpu.memory_space<vmem>>) semaphore(%arg16 : memref<!tpu.dma_semaphore, #tpu.memory_space<semaphore_mem>>)
    %dma_wait3A = arith.constant 0 : i32
    %dma_wait3A_11 = arith.constant 0 : i32
    %dma_wait3A_12 = tpu.memref_slice %arg5[%dma_wait3A, %dma_wait3A_11] : memref<1000000x64xf32, #tpu.memory_space<hbm>> -> memref<1000000x64xf32, #tpu.memory_space<hbm>>
    tpu.wait_indirect_dma semaphore(%arg16 : memref<!tpu.dma_semaphore, #tpu.memory_space<semaphore_mem>>) src(%dma_wait3A_12 : memref<1000000x64xf32, #tpu.memory_space<hbm>>) dst(%arg11 : memref<512x64xf32, #tpu.memory_space<vmem>>)
    %dma_wait3A_13 = arith.constant 0 : i32
    %dma_wait3A_14 = arith.constant 0 : i32
    %dma_wait3A_15 = tpu.memref_slice %arg6[%dma_wait3A_13, %dma_wait3A_14] : memref<1000x64xf32, #tpu.memory_space<hbm>> -> memref<1000x64xf32, #tpu.memory_space<hbm>>
    tpu.wait_indirect_dma semaphore(%arg16 : memref<!tpu.dma_semaphore, #tpu.memory_space<semaphore_mem>>) src(%dma_wait3A_15 : memref<1000x64xf32, #tpu.memory_space<hbm>>) dst(%arg12 : memref<512x64xf32, #tpu.memory_space<vmem>>)
    %dma_wait3A_16 = arith.constant 0 : i32
    %dma_wait3A_17 = arith.constant 0 : i32
    %dma_wait3A_18 = tpu.memref_slice %arg5[%dma_wait3A_16, %dma_wait3A_17] : memref<1000000x64xf32, #tpu.memory_space<hbm>> -> memref<1000000x64xf32, #tpu.memory_space<hbm>>
    tpu.wait_indirect_dma semaphore(%arg16 : memref<!tpu.dma_semaphore, #tpu.memory_space<semaphore_mem>>) src(%dma_wait3A_18 : memref<1000000x64xf32, #tpu.memory_space<hbm>>) dst(%arg13 : memref<512x64xf32, #tpu.memory_space<vmem>>)
    %scan3A = arith.constant 0 : i32
    %scan3A_19 = arith.constant 0 : i32
    %scan3A_20 = arith.constant 512 : i32
    %scan3A_21 = arith.addi %scan3A_19, %scan3A_20 : i32
    %scan3A_22 = arith.constant 4 : i32
    scf.for %scan3A_30 = %scan3A_19 to %scan3A_21 step %scan3A_22  : i32 {
      %get3A = arith.index_cast %scan3A_30 : i32 to index
      %get3A_31 = arith.constant 0 : index
      %get3A_32 = tpu.vector_load %arg11[%get3A, %get3A_31] {strides = array<i32>} : memref<512x64xf32, #tpu.memory_space<vmem>>, vector<16xf32>,
      %get3A_33 = arith.index_cast %scan3A_30 : i32 to index
      %get3A_34 = arith.constant 0 : index
      %get3A_35 = tpu.vector_load %arg12[%get3A_33, %get3A_34] {strides = array<i32>} : memref<512x64xf32, #tpu.memory_space<vmem>>, vector<16xf32>,
      %mul3A_36 = arith.mulf %get3A_32, %get3A_35 : vector<16xf32>
      %get3A_37 = arith.index_cast %scan3A_30 : i32 to index
      %get3A_38 = arith.constant 0 : index
      %get3A_39 = tpu.vector_load %arg13[%get3A_37, %get3A_38] {strides = array<i32>} : memref<512x64xf32, #tpu.memory_space<vmem>>, vector<16xf32>,
      %mul3A_40 = arith.mulf %mul3A_36, %get3A_39 : vector<16xf32>
      %get3A_41 = arith.index_cast %scan3A_30 : i32 to index
      %get3A_42 = arith.constant 16 : index
      %get3A_43 = tpu.vector_load %arg11[%get3A_41, %get3A_42] {strides = array<i32>} : memref<512x64xf32, #tpu.memory_space<vmem>>, vector<16xf32>,
      %get3A_44 = arith.index_cast %scan3A_30 : i32 to index
      %get3A_45 = arith.constant 16 : index
      %get3A_46 = tpu.vector_load %arg12[%get3A_44, %get3A_45] {strides = array<i32>} : memref<512x64xf32, #tpu.memory_space<vmem>>, vector<16xf32>,
      %mul3A_47 = arith.mulf %get3A_43, %get3A_46 : vector<16xf32>
      %get3A_48 = arith.index_cast %scan3A_30 : i32 to index
      %get3A_49 = arith.constant 16 : index
      %get3A_50 = tpu.vector_load %arg13[%get3A_48, %get3A_49] {strides = array<i32>} : memref<512x64xf32, #tpu.memory_space<vmem>>, vector<16xf32>,
      %mul3A_51 = arith.mulf %mul3A_47, %get3A_50 : vector<16xf32>
      %add3A_52 = arith.addf %mul3A_40, %mul3A_51 : vector<16xf32>
      %get3A_53 = arith.index_cast %scan3A_30 : i32 to index
      %get3A_54 = arith.constant 32 : index
      %get3A_55 = tpu.vector_load %arg11[%get3A_53, %get3A_54] {strides = array<i32>} : memref<512x64xf32, #tpu.memory_space<vmem>>, vector<16xf32>,
      %get3A_56 = arith.index_cast %scan3A_30 : i32 to index
      %get3A_57 = arith.constant 32 : index
      %get3A_58 = tpu.vector_load %arg12[%get3A_56, %get3A_57] {strides = array<i32>} : memref<512x64xf32, #tpu.memory_space<vmem>>, vector<16xf32>,
      %mul3A_59 = arith.mulf %get3A_55, %get3A_58 : vector<16xf32>
      %get3A_60 = arith.index_cast %scan3A_30 : i32 to index
      %get3A_61 = arith.constant 32 : index
      %get3A_62 = tpu.vector_load %arg13[%get3A_60, %get3A_61] {strides = array<i32>} : memref<512x64xf32, #tpu.memory_space<vmem>>, vector<16xf32>,
      %mul3A_63 = arith.mulf %mul3A_59, %get3A_62 : vector<16xf32>
      %add3A_64 = arith.addf %add3A_52, %mul3A_63 : vector<16xf32>
      %get3A_65 = arith.index_cast %scan3A_30 : i32 to index
      %get3A_66 = arith.constant 48 : index
      %get3A_67 = tpu.vector_load %arg11[%get3A_65, %get3A_66] {strides = array<i32>} : memref<512x64xf32, #tpu.memory_space<vmem>>, vector<16xf32>,
      %get3A_68 = arith.index_cast %scan3A_30 : i32 to index
      %get3A_69 = arith.constant 48 : index
      %get3A_70 = tpu.vector_load %arg12[%get3A_68, %get3A_69] {strides = array<i32>} : memref<512x64xf32, #tpu.memory_space<vmem>>, vector<16xf32>,
      %mul3A_71 = arith.mulf %get3A_67, %get3A_70 : vector<16xf32>
      %get3A_72 = arith.index_cast %scan3A_30 : i32 to index
      %get3A_73 = arith.constant 48 : index
      %get3A_74 = tpu.vector_load %arg13[%get3A_72, %get3A_73] {strides = array<i32>} : memref<512x64xf32, #tpu.memory_space<vmem>>, vector<16xf32>,
      %mul3A_75 = arith.mulf %mul3A_71, %get3A_74 : vector<16xf32>
      %add3A_76 = arith.addf %add3A_64, %mul3A_75 : vector<16xf32>
      %mul3A_77 = arith.constant 16 : i32
      %mul3A_78 = arith.muli %scan3A_30, %mul3A_77 : i32
      %swap3A = arith.index_cast %mul3A_78 : i32 to index
      %swap3A_79 = tpu.vector_load %arg14[%swap3A] {strides = array<i32>} : memref<8192xf32, #tpu.memory_space<vmem>>, vector<16xf32>,
      tpu.vector_store %arg14[%swap3A], %add3A_76 {strides = array<i32>} : memref<8192xf32, #tpu.memory_space<vmem>>, vector<16xf32>,
      %scan3A_80 = arith.constant 1 : i32
      %scan3A_81 = arith.addi %scan3A_30, %scan3A_80 : i32
      %get3A_82 = arith.index_cast %scan3A_81 : i32 to index
      %get3A_83 = arith.constant 0 : index
      %get3A_84 = tpu.vector_load %arg11[%get3A_82, %get3A_83] {strides = array<i32>} : memref<512x64xf32, #tpu.memory_space<vmem>>, vector<16xf32>,
      %get3A_85 = arith.index_cast %scan3A_81 : i32 to index
      %get3A_86 = arith.constant 0 : index
      %get3A_87 = tpu.vector_load %arg12[%get3A_85, %get3A_86] {strides = array<i32>} : memref<512x64xf32, #tpu.memory_space<vmem>>, vector<16xf32>,
      %mul3A_88 = arith.mulf %get3A_84, %get3A_87 : vector<16xf32>
      %get3A_89 = arith.index_cast %scan3A_81 : i32 to index
      %get3A_90 = arith.constant 0 : index
      %get3A_91 = tpu.vector_load %arg13[%get3A_89, %get3A_90] {strides = array<i32>} : memref<512x64xf32, #tpu.memory_space<vmem>>, vector<16xf32>,
      %mul3A_92 = arith.mulf %mul3A_88, %get3A_91 : vector<16xf32>
      %get3A_93 = arith.index_cast %scan3A_81 : i32 to index
      %get3A_94 = arith.constant 16 : index
      %get3A_95 = tpu.vector_load %arg11[%get3A_93, %get3A_94] {strides = array<i32>} : memref<512x64xf32, #tpu.memory_space<vmem>>, vector<16xf32>,
      %get3A_96 = arith.index_cast %scan3A_81 : i32 to index
      %get3A_97 = arith.constant 16 : index
      %get3A_98 = tpu.vector_load %arg12[%get3A_96, %get3A_97] {strides = array<i32>} : memref<512x64xf32, #tpu.memory_space<vmem>>, vector<16xf32>,
      %mul3A_99 = arith.mulf %get3A_95, %get3A_98 : vector<16xf32>
      %get3A_100 = arith.index_cast %scan3A_81 : i32 to index
      %get3A_101 = arith.constant 16 : index
      %get3A_102 = tpu.vector_load %arg13[%get3A_100, %get3A_101] {strides = array<i32>} : memref<512x64xf32, #tpu.memory_space<vmem>>, vector<16xf32>,
      %mul3A_103 = arith.mulf %mul3A_99, %get3A_102 : vector<16xf32>
      %add3A_104 = arith.addf %mul3A_92, %mul3A_103 : vector<16xf32>
      %get3A_105 = arith.index_cast %scan3A_81 : i32 to index
      %get3A_106 = arith.constant 32 : index
      %get3A_107 = tpu.vector_load %arg11[%get3A_105, %get3A_106] {strides = array<i32>} : memref<512x64xf32, #tpu.memory_space<vmem>>, vector<16xf32>,
      %get3A_108 = arith.index_cast %scan3A_81 : i32 to index
      %get3A_109 = arith.constant 32 : index
      %get3A_110 = tpu.vector_load %arg12[%get3A_108, %get3A_109] {strides = array<i32>} : memref<512x64xf32, #tpu.memory_space<vmem>>, vector<16xf32>,
      %mul3A_111 = arith.mulf %get3A_107, %get3A_110 : vector<16xf32>
      %get3A_112 = arith.index_cast %scan3A_81 : i32 to index
      %get3A_113 = arith.constant 32 : index
      %get3A_114 = tpu.vector_load %arg13[%get3A_112, %get3A_113] {strides = array<i32>} : memref<512x64xf32, #tpu.memory_space<vmem>>, vector<16xf32>,
      %mul3A_115 = arith.mulf %mul3A_111, %get3A_114 : vector<16xf32>
      %add3A_116 = arith.addf %add3A_104, %mul3A_115 : vector<16xf32>
      %get3A_117 = arith.index_cast %scan3A_81 : i32 to index
      %get3A_118 = arith.constant 48 : index
      %get3A_119 = tpu.vector_load %arg11[%get3A_117, %get3A_118] {strides = array<i32>} : memref<512x64xf32, #tpu.memory_space<vmem>>, vector<16xf32>,
      %get3A_120 = arith.index_cast %scan3A_81 : i32 to index
      %get3A_121 = arith.constant 48 : index
      %get3A_122 = tpu.vector_load %arg12[%get3A_120, %get3A_121] {strides = array<i32>} : memref<512x64xf32, #tpu.memory_space<vmem>>, vector<16xf32>,
      %mul3A_123 = arith.mulf %get3A_119, %get3A_122 : vector<16xf32>
      %get3A_124 = arith.index_cast %scan3A_81 : i32 to index
      %get3A_125 = arith.constant 48 : index
      %get3A_126 = tpu.vector_load %arg13[%get3A_124, %get3A_125] {strides = array<i32>} : memref<512x64xf32, #tpu.memory_space<vmem>>, vector<16xf32>,
      %mul3A_127 = arith.mulf %mul3A_123, %get3A_126 : vector<16xf32>
      %add3A_128 = arith.addf %add3A_116, %mul3A_127 : vector<16xf32>
      %mul3A_129 = arith.constant 16 : i32
      %mul3A_130 = arith.muli %scan3A_81, %mul3A_129 : i32
      %swap3A_131 = arith.index_cast %mul3A_130 : i32 to index
      %swap3A_132 = tpu.vector_load %arg14[%swap3A_131] {strides = array<i32>} : memref<8192xf32, #tpu.memory_space<vmem>>, vector<16xf32>,
      tpu.vector_store %arg14[%swap3A_131], %add3A_128 {strides = array<i32>} : memref<8192xf32, #tpu.memory_space<vmem>>, vector<16xf32>,
      %scan3A_133 = arith.constant 2 : i32
      %scan3A_134 = arith.addi %scan3A_30, %scan3A_133 : i32
      %get3A_135 = arith.index_cast %scan3A_134 : i32 to index
      %get3A_136 = arith.constant 0 : index
      %get3A_137 = tpu.vector_load %arg11[%get3A_135, %get3A_136] {strides = array<i32>} : memref<512x64xf32, #tpu.memory_space<vmem>>, vector<16xf32>,
      %get3A_138 = arith.index_cast %scan3A_134 : i32 to index
      %get3A_139 = arith.constant 0 : index
      %get3A_140 = tpu.vector_load %arg12[%get3A_138, %get3A_139] {strides = array<i32>} : memref<512x64xf32, #tpu.memory_space<vmem>>, vector<16xf32>,
      %mul3A_141 = arith.mulf %get3A_137, %get3A_140 : vector<16xf32>
      %get3A_142 = arith.index_cast %scan3A_134 : i32 to index
      %get3A_143 = arith.constant 0 : index
      %get3A_144 = tpu.vector_load %arg13[%get3A_142, %get3A_143] {strides = array<i32>} : memref<512x64xf32, #tpu.memory_space<vmem>>, vector<16xf32>,
      %mul3A_145 = arith.mulf %mul3A_141, %get3A_144 : vector<16xf32>
      %get3A_146 = arith.index_cast %scan3A_134 : i32 to index
      %get3A_147 = arith.constant 16 : index
      %get3A_148 = tpu.vector_load %arg11[%get3A_146, %get3A_147] {strides = array<i32>} : memref<512x64xf32, #tpu.memory_space<vmem>>, vector<16xf32>,
      %get3A_149 = arith.index_cast %scan3A_134 : i32 to index
      %get3A_150 = arith.constant 16 : index
      %get3A_151 = tpu.vector_load %arg12[%get3A_149, %get3A_150] {strides = array<i32>} : memref<512x64xf32, #tpu.memory_space<vmem>>, vector<16xf32>,
      %mul3A_152 = arith.mulf %get3A_148, %get3A_151 : vector<16xf32>
      %get3A_153 = arith.index_cast %scan3A_134 : i32 to index
      %get3A_154 = arith.constant 16 : index
      %get3A_155 = tpu.vector_load %arg13[%get3A_153, %get3A_154] {strides = array<i32>} : memref<512x64xf32, #tpu.memory_space<vmem>>, vector<16xf32>,
      %mul3A_156 = arith.mulf %mul3A_152, %get3A_155 : vector<16xf32>
      %add3A_157 = arith.addf %mul3A_145, %mul3A_156 : vector<16xf32>
      %get3A_158 = arith.index_cast %scan3A_134 : i32 to index
      %get3A_159 = arith.constant 32 : index
      %get3A_160 = tpu.vector_load %arg11[%get3A_158, %get3A_159] {strides = array<i32>} : memref<512x64xf32, #tpu.memory_space<vmem>>, vector<16xf32>,
      %get3A_161 = arith.index_cast %scan3A_134 : i32 to index
      %get3A_162 = arith.constant 32 : index
      %get3A_163 = tpu.vector_load %arg12[%get3A_161, %get3A_162] {strides = array<i32>} : memref<512x64xf32, #tpu.memory_space<vmem>>, vector<16xf32>,
      %mul3A_164 = arith.mulf %get3A_160, %get3A_163 : vector<16xf32>
      %get3A_165 = arith.index_cast %scan3A_134 : i32 to index
      %get3A_166 = arith.constant 32 : index
      %get3A_167 = tpu.vector_load %arg13[%get3A_165, %get3A_166] {strides = array<i32>} : memref<512x64xf32, #tpu.memory_space<vmem>>, vector<16xf32>,
      %mul3A_168 = arith.mulf %mul3A_164, %get3A_167 : vector<16xf32>
      %add3A_169 = arith.addf %add3A_157, %mul3A_168 : vector<16xf32>
      %get3A_170 = arith.index_cast %scan3A_134 : i32 to index
      %get3A_171 = arith.constant 48 : index
      %get3A_172 = tpu.vector_load %arg11[%get3A_170, %get3A_171] {strides = array<i32>} : memref<512x64xf32, #tpu.memory_space<vmem>>, vector<16xf32>,
      %get3A_173 = arith.index_cast %scan3A_134 : i32 to index
      %get3A_174 = arith.constant 48 : index
      %get3A_175 = tpu.vector_load %arg12[%get3A_173, %get3A_174] {strides = array<i32>} : memref<512x64xf32, #tpu.memory_space<vmem>>, vector<16xf32>,
      %mul3A_176 = arith.mulf %get3A_172, %get3A_175 : vector<16xf32>
      %get3A_177 = arith.index_cast %scan3A_134 : i32 to index
      %get3A_178 = arith.constant 48 : index
      %get3A_179 = tpu.vector_load %arg13[%get3A_177, %get3A_178] {strides = array<i32>} : memref<512x64xf32, #tpu.memory_space<vmem>>, vector<16xf32>,
      %mul3A_180 = arith.mulf %mul3A_176, %get3A_179 : vector<16xf32>
      %add3A_181 = arith.addf %add3A_169, %mul3A_180 : vector<16xf32>
      %mul3A_182 = arith.constant 16 : i32
      %mul3A_183 = arith.muli %scan3A_134, %mul3A_182 : i32
      %swap3A_184 = arith.index_cast %mul3A_183 : i32 to index
      %swap3A_185 = tpu.vector_load %arg14[%swap3A_184] {strides = array<i32>} : memref<8192xf32, #tpu.memory_space<vmem>>, vector<16xf32>,
      tpu.vector_store %arg14[%swap3A_184], %add3A_181 {strides = array<i32>} : memref<8192xf32, #tpu.memory_space<vmem>>, vector<16xf32>,
      %scan3A_186 = arith.constant 3 : i32
      %scan3A_187 = arith.addi %scan3A_30, %scan3A_186 : i32
      %get3A_188 = arith.index_cast %scan3A_187 : i32 to index
      %get3A_189 = arith.constant 0 : index
      %get3A_190 = tpu.vector_load %arg11[%get3A_188, %get3A_189] {strides = array<i32>} : memref<512x64xf32, #tpu.memory_space<vmem>>, vector<16xf32>,
      %get3A_191 = arith.index_cast %scan3A_187 : i32 to index
      %get3A_192 = arith.constant 0 : index
      %get3A_193 = tpu.vector_load %arg12[%get3A_191, %get3A_192] {strides = array<i32>} : memref<512x64xf32, #tpu.memory_space<vmem>>, vector<16xf32>,
      %mul3A_194 = arith.mulf %get3A_190, %get3A_193 : vector<16xf32>
      %get3A_195 = arith.index_cast %scan3A_187 : i32 to index
      %get3A_196 = arith.constant 0 : index
      %get3A_197 = tpu.vector_load %arg13[%get3A_195, %get3A_196] {strides = array<i32>} : memref<512x64xf32, #tpu.memory_space<vmem>>, vector<16xf32>,
      %mul3A_198 = arith.mulf %mul3A_194, %get3A_197 : vector<16xf32>
      %get3A_199 = arith.index_cast %scan3A_187 : i32 to index
      %get3A_200 = arith.constant 16 : index
      %get3A_201 = tpu.vector_load %arg11[%get3A_199, %get3A_200] {strides = array<i32>} : memref<512x64xf32, #tpu.memory_space<vmem>>, vector<16xf32>,
      %get3A_202 = arith.index_cast %scan3A_187 : i32 to index
      %get3A_203 = arith.constant 16 : index
      %get3A_204 = tpu.vector_load %arg12[%get3A_202, %get3A_203] {strides = array<i32>} : memref<512x64xf32, #tpu.memory_space<vmem>>, vector<16xf32>,
      %mul3A_205 = arith.mulf %get3A_201, %get3A_204 : vector<16xf32>
      %get3A_206 = arith.index_cast %scan3A_187 : i32 to index
      %get3A_207 = arith.constant 16 : index
      %get3A_208 = tpu.vector_load %arg13[%get3A_206, %get3A_207] {strides = array<i32>} : memref<512x64xf32, #tpu.memory_space<vmem>>, vector<16xf32>,
      %mul3A_209 = arith.mulf %mul3A_205, %get3A_208 : vector<16xf32>
      %add3A_210 = arith.addf %mul3A_198, %mul3A_209 : vector<16xf32>
      %get3A_211 = arith.index_cast %scan3A_187 : i32 to index
      %get3A_212 = arith.constant 32 : index
      %get3A_213 = tpu.vector_load %arg11[%get3A_211, %get3A_212] {strides = array<i32>} : memref<512x64xf32, #tpu.memory_space<vmem>>, vector<16xf32>,
      %get3A_214 = arith.index_cast %scan3A_187 : i32 to index
      %get3A_215 = arith.constant 32 : index
      %get3A_216 = tpu.vector_load %arg12[%get3A_214, %get3A_215] {strides = array<i32>} : memref<512x64xf32, #tpu.memory_space<vmem>>, vector<16xf32>,
      %mul3A_217 = arith.mulf %get3A_213, %get3A_216 : vector<16xf32>
      %get3A_218 = arith.index_cast %scan3A_187 : i32 to index
      %get3A_219 = arith.constant 32 : index
      %get3A_220 = tpu.vector_load %arg13[%get3A_218, %get3A_219] {strides = array<i32>} : memref<512x64xf32, #tpu.memory_space<vmem>>, vector<16xf32>,
      %mul3A_221 = arith.mulf %mul3A_217, %get3A_220 : vector<16xf32>
      %add3A_222 = arith.addf %add3A_210, %mul3A_221 : vector<16xf32>
      %get3A_223 = arith.index_cast %scan3A_187 : i32 to index
      %get3A_224 = arith.constant 48 : index
      %get3A_225 = tpu.vector_load %arg11[%get3A_223, %get3A_224] {strides = array<i32>} : memref<512x64xf32, #tpu.memory_space<vmem>>, vector<16xf32>,
      %get3A_226 = arith.index_cast %scan3A_187 : i32 to index
      %get3A_227 = arith.constant 48 : index
      %get3A_228 = tpu.vector_load %arg12[%get3A_226, %get3A_227] {strides = array<i32>} : memref<512x64xf32, #tpu.memory_space<vmem>>, vector<16xf32>,
      %mul3A_229 = arith.mulf %get3A_225, %get3A_228 : vector<16xf32>
      %get3A_230 = arith.index_cast %scan3A_187 : i32 to index
      %get3A_231 = arith.constant 48 : index
      %get3A_232 = tpu.vector_load %arg13[%get3A_230, %get3A_231] {strides = array<i32>} : memref<512x64xf32, #tpu.memory_space<vmem>>, vector<16xf32>,
      %mul3A_233 = arith.mulf %mul3A_229, %get3A_232 : vector<16xf32>
      %add3A_234 = arith.addf %add3A_222, %mul3A_233 : vector<16xf32>
      %mul3A_235 = arith.constant 16 : i32
      %mul3A_236 = arith.muli %scan3A_187, %mul3A_235 : i32
      %swap3A_237 = arith.index_cast %mul3A_236 : i32 to index
      %swap3A_238 = tpu.vector_load %arg14[%swap3A_237] {strides = array<i32>} : memref<8192xf32, #tpu.memory_space<vmem>>, vector<16xf32>,
      tpu.vector_store %arg14[%swap3A_237], %add3A_234 {strides = array<i32>} : memref<8192xf32, #tpu.memory_space<vmem>>, vector<16xf32>,
    }
    %scan3A_23 = arith.constant 512 : i32
    %iota3A = tpu.iota {dimensions = array<i32: 0>} : vector<16xi32>
    %scan3A_24 = arith.constant 0 : i32
    %scan3A_25 = arith.constant 0 : i32
    %scan3A_26 = arith.constant 32 : i32
    %scan3A_27 = arith.addi %scan3A_25, %scan3A_26 : i32
    %scan3A_28 = arith.constant 2 : i32
    scf.for %scan3A_30 = %scan3A_25 to %scan3A_27 step %scan3A_28  : i32 {
      %mul3A_31 = arith.constant 16 : i32
      %mul3A_32 = arith.muli %scan3A_30, %mul3A_31 : i32
      %add3A_33 = vector.broadcast %mul3A_32 : i32 to vector<16xi32>
      %add3A_34 = arith.addi %add3A_33, %iota3A : vector<16xi32>
      %mul3A_35 = arith.constant 16 : i32
      %mul3A_36 = vector.broadcast %mul3A_35 : i32 to vector<16xi32>
      %mul3A_37 = arith.muli %add3A_34, %mul3A_36 : vector<16xi32>
      %gather3A = tpu.vector_load_idx %arg14[%mul3A_37] : memref<8192xf32, #tpu.memory_space<vmem>>[vector<16xi32>], vector<16xf32>,
      %add3A_38 = arith.constant 1 : i32
      %add3A_39 = vector.broadcast %add3A_38 : i32 to vector<16xi32>
      %add3A_40 = arith.addi %mul3A_37, %add3A_39 : vector<16xi32>
      %gather3A_41 = tpu.vector_load_idx %arg14[%add3A_40] : memref<8192xf32, #tpu.memory_space<vmem>>[vector<16xi32>], vector<16xf32>,
      %add3A_42 = arith.addf %gather3A, %gather3A_41 : vector<16xf32>
      %add3A_43 = arith.constant 2 : i32
      %add3A_44 = vector.broadcast %add3A_43 : i32 to vector<16xi32>
      %add3A_45 = arith.addi %mul3A_37, %add3A_44 : vector<16xi32>
      %gather3A_46 = tpu.vector_load_idx %arg14[%add3A_45] : memref<8192xf32, #tpu.memory_space<vmem>>[vector<16xi32>], vector<16xf32>,
      %add3A_47 = arith.addf %add3A_42, %gather3A_46 : vector<16xf32>
      %add3A_48 = arith.constant 3 : i32
      %add3A_49 = vector.broadcast %add3A_48 : i32 to vector<16xi32>
      %add3A_50 = arith.addi %mul3A_37, %add3A_49 : vector<16xi32>
      %gather3A_51 = tpu.vector_load_idx %arg14[%add3A_50] : memref<8192xf32, #tpu.memory_space<vmem>>[vector<16xi32>], vector<16xf32>,
      %add3A_52 = arith.addf %add3A_47, %gather3A_51 : vector<16xf32>
      %add3A_53 = arith.constant 4 : i32
      %add3A_54 = vector.broadcast %add3A_53 : i32 to vector<16xi32>
      %add3A_55 = arith.addi %mul3A_37, %add3A_54 : vector<16xi32>
      %gather3A_56 = tpu.vector_load_idx %arg14[%add3A_55] : memref<8192xf32, #tpu.memory_space<vmem>>[vector<16xi32>], vector<16xf32>,
      %add3A_57 = arith.addf %add3A_52, %gather3A_56 : vector<16xf32>
      %add3A_58 = arith.constant 5 : i32
      %add3A_59 = vector.broadcast %add3A_58 : i32 to vector<16xi32>
      %add3A_60 = arith.addi %mul3A_37, %add3A_59 : vector<16xi32>
      %gather3A_61 = tpu.vector_load_idx %arg14[%add3A_60] : memref<8192xf32, #tpu.memory_space<vmem>>[vector<16xi32>], vector<16xf32>,
      %add3A_62 = arith.addf %add3A_57, %gather3A_61 : vector<16xf32>
      %add3A_63 = arith.constant 6 : i32
      %add3A_64 = vector.broadcast %add3A_63 : i32 to vector<16xi32>
      %add3A_65 = arith.addi %mul3A_37, %add3A_64 : vector<16xi32>
      %gather3A_66 = tpu.vector_load_idx %arg14[%add3A_65] : memref<8192xf32, #tpu.memory_space<vmem>>[vector<16xi32>], vector<16xf32>,
      %add3A_67 = arith.addf %add3A_62, %gather3A_66 : vector<16xf32>
      %add3A_68 = arith.constant 7 : i32
      %add3A_69 = vector.broadcast %add3A_68 : i32 to vector<16xi32>
      %add3A_70 = arith.addi %mul3A_37, %add3A_69 : vector<16xi32>
      %gather3A_71 = tpu.vector_load_idx %arg14[%add3A_70] : memref<8192xf32, #tpu.memory_space<vmem>>[vector<16xi32>], vector<16xf32>,
      %add3A_72 = arith.addf %add3A_67, %gather3A_71 : vector<16xf32>
      %add3A_73 = arith.constant 8 : i32
      %add3A_74 = vector.broadcast %add3A_73 : i32 to vector<16xi32>
      %add3A_75 = arith.addi %mul3A_37, %add3A_74 : vector<16xi32>
      %gather3A_76 = tpu.vector_load_idx %arg14[%add3A_75] : memref<8192xf32, #tpu.memory_space<vmem>>[vector<16xi32>], vector<16xf32>,
      %add3A_77 = arith.addf %add3A_72, %gather3A_76 : vector<16xf32>
      %add3A_78 = arith.constant 9 : i32
      %add3A_79 = vector.broadcast %add3A_78 : i32 to vector<16xi32>
      %add3A_80 = arith.addi %mul3A_37, %add3A_79 : vector<16xi32>
      %gather3A_81 = tpu.vector_load_idx %arg14[%add3A_80] : memref<8192xf32, #tpu.memory_space<vmem>>[vector<16xi32>], vector<16xf32>,
      %add3A_82 = arith.addf %add3A_77, %gather3A_81 : vector<16xf32>
      %add3A_83 = arith.constant 10 : i32
      %add3A_84 = vector.broadcast %add3A_83 : i32 to vector<16xi32>
      %add3A_85 = arith.addi %mul3A_37, %add3A_84 : vector<16xi32>
      %gather3A_86 = tpu.vector_load_idx %arg14[%add3A_85] : memref<8192xf32, #tpu.memory_space<vmem>>[vector<16xi32>], vector<16xf32>,
      %add3A_87 = arith.addf %add3A_82, %gather3A_86 : vector<16xf32>
      %add3A_88 = arith.constant 11 : i32
      %add3A_89 = vector.broadcast %add3A_88 : i32 to vector<16xi32>
      %add3A_90 = arith.addi %mul3A_37, %add3A_89 : vector<16xi32>
      %gather3A_91 = tpu.vector_load_idx %arg14[%add3A_90] : memref<8192xf32, #tpu.memory_space<vmem>>[vector<16xi32>], vector<16xf32>,
      %add3A_92 = arith.addf %add3A_87, %gather3A_91 : vector<16xf32>
      %add3A_93 = arith.constant 12 : i32
      %add3A_94 = vector.broadcast %add3A_93 : i32 to vector<16xi32>
      %add3A_95 = arith.addi %mul3A_37, %add3A_94 : vector<16xi32>
      %gather3A_96 = tpu.vector_load_idx %arg14[%add3A_95] : memref<8192xf32, #tpu.memory_space<vmem>>[vector<16xi32>], vector<16xf32>,
      %add3A_97 = arith.addf %add3A_92, %gather3A_96 : vector<16xf32>
      %add3A_98 = arith.constant 13 : i32
      %add3A_99 = vector.broadcast %add3A_98 : i32 to vector<16xi32>
      %add3A_100 = arith.addi %mul3A_37, %add3A_99 : vector<16xi32>
      %gather3A_101 = tpu.vector_load_idx %arg14[%add3A_100] : memref<8192xf32, #tpu.memory_space<vmem>>[vector<16xi32>], vector<16xf32>,
      %add3A_102 = arith.addf %add3A_97, %gather3A_101 : vector<16xf32>
      %add3A_103 = arith.constant 14 : i32
      %add3A_104 = vector.broadcast %add3A_103 : i32 to vector<16xi32>
      %add3A_105 = arith.addi %mul3A_37, %add3A_104 : vector<16xi32>
      %gather3A_106 = tpu.vector_load_idx %arg14[%add3A_105] : memref<8192xf32, #tpu.memory_space<vmem>>[vector<16xi32>], vector<16xf32>,
      %add3A_107 = arith.addf %add3A_102, %gather3A_106 : vector<16xf32>
      %add3A_108 = arith.constant 15 : i32
      %add3A_109 = vector.broadcast %add3A_108 : i32 to vector<16xi32>
      %add3A_110 = arith.addi %mul3A_37, %add3A_109 : vector<16xi32>
      %gather3A_111 = tpu.vector_load_idx %arg14[%add3A_110] : memref<8192xf32, #tpu.memory_space<vmem>>[vector<16xi32>], vector<16xf32>,
      %add3A_112 = arith.addf %add3A_107, %gather3A_111 : vector<16xf32>
      %mul3A_113 = arith.constant 16 : i32
      %mul3A_114 = arith.muli %scan3A_30, %mul3A_113 : i32
      %swap3A = arith.index_cast %mul3A_114 : i32 to index
      %swap3A_115 = tpu.vector_load %arg15[%swap3A] {strides = array<i32>} : memref<512xf32, #tpu.memory_space<vmem>>, vector<16xf32>,
      tpu.vector_store %arg15[%swap3A], %add3A_112 {strides = array<i32>} : memref<512xf32, #tpu.memory_space<vmem>>, vector<16xf32>,
      %scan3A_116 = arith.constant 1 : i32
      %scan3A_117 = arith.addi %scan3A_30, %scan3A_116 : i32
      %mul3A_118 = arith.constant 16 : i32
      %mul3A_119 = arith.muli %scan3A_117, %mul3A_118 : i32
      %add3A_120 = vector.broadcast %mul3A_119 : i32 to vector<16xi32>
      %add3A_121 = arith.addi %add3A_120, %iota3A : vector<16xi32>
      %mul3A_122 = arith.constant 16 : i32
      %mul3A_123 = vector.broadcast %mul3A_122 : i32 to vector<16xi32>
      %mul3A_124 = arith.muli %add3A_121, %mul3A_123 : vector<16xi32>
      %gather3A_125 = tpu.vector_load_idx %arg14[%mul3A_124] : memref<8192xf32, #tpu.memory_space<vmem>>[vector<16xi32>], vector<16xf32>,
      %add3A_126 = arith.constant 1 : i32
      %add3A_127 = vector.broadcast %add3A_126 : i32 to vector<16xi32>
      %add3A_128 = arith.addi %mul3A_124, %add3A_127 : vector<16xi32>
      %gather3A_129 = tpu.vector_load_idx %arg14[%add3A_128] : memref<8192xf32, #tpu.memory_space<vmem>>[vector<16xi32>], vector<16xf32>,
      %add3A_130 = arith.addf %gather3A_125, %gather3A_129 : vector<16xf32>
      %add3A_131 = arith.constant 2 : i32
      %add3A_132 = vector.broadcast %add3A_131 : i32 to vector<16xi32>
      %add3A_133 = arith.addi %mul3A_124, %add3A_132 : vector<16xi32>
      %gather3A_134 = tpu.vector_load_idx %arg14[%add3A_133] : memref<8192xf32, #tpu.memory_space<vmem>>[vector<16xi32>], vector<16xf32>,
      %add3A_135 = arith.addf %add3A_130, %gather3A_134 : vector<16xf32>
      %add3A_136 = arith.constant 3 : i32
      %add3A_137 = vector.broadcast %add3A_136 : i32 to vector<16xi32>
      %add3A_138 = arith.addi %mul3A_124, %add3A_137 : vector<16xi32>
      %gather3A_139 = tpu.vector_load_idx %arg14[%add3A_138] : memref<8192xf32, #tpu.memory_space<vmem>>[vector<16xi32>], vector<16xf32>,
      %add3A_140 = arith.addf %add3A_135, %gather3A_139 : vector<16xf32>
      %add3A_141 = arith.constant 4 : i32
      %add3A_142 = vector.broadcast %add3A_141 : i32 to vector<16xi32>
      %add3A_143 = arith.addi %mul3A_124, %add3A_142 : vector<16xi32>
      %gather3A_144 = tpu.vector_load_idx %arg14[%add3A_143] : memref<8192xf32, #tpu.memory_space<vmem>>[vector<16xi32>], vector<16xf32>,
      %add3A_145 = arith.addf %add3A_140, %gather3A_144 : vector<16xf32>
      %add3A_146 = arith.constant 5 : i32
      %add3A_147 = vector.broadcast %add3A_146 : i32 to vector<16xi32>
      %add3A_148 = arith.addi %mul3A_124, %add3A_147 : vector<16xi32>
      %gather3A_149 = tpu.vector_load_idx %arg14[%add3A_148] : memref<8192xf32, #tpu.memory_space<vmem>>[vector<16xi32>], vector<16xf32>,
      %add3A_150 = arith.addf %add3A_145, %gather3A_149 : vector<16xf32>
      %add3A_151 = arith.constant 6 : i32
      %add3A_152 = vector.broadcast %add3A_151 : i32 to vector<16xi32>
      %add3A_153 = arith.addi %mul3A_124, %add3A_152 : vector<16xi32>
      %gather3A_154 = tpu.vector_load_idx %arg14[%add3A_153] : memref<8192xf32, #tpu.memory_space<vmem>>[vector<16xi32>], vector<16xf32>,
      %add3A_155 = arith.addf %add3A_150, %gather3A_154 : vector<16xf32>
      %add3A_156 = arith.constant 7 : i32
      %add3A_157 = vector.broadcast %add3A_156 : i32 to vector<16xi32>
      %add3A_158 = arith.addi %mul3A_124, %add3A_157 : vector<16xi32>
      %gather3A_159 = tpu.vector_load_idx %arg14[%add3A_158] : memref<8192xf32, #tpu.memory_space<vmem>>[vector<16xi32>], vector<16xf32>,
      %add3A_160 = arith.addf %add3A_155, %gather3A_159 : vector<16xf32>
      %add3A_161 = arith.constant 8 : i32
      %add3A_162 = vector.broadcast %add3A_161 : i32 to vector<16xi32>
      %add3A_163 = arith.addi %mul3A_124, %add3A_162 : vector<16xi32>
      %gather3A_164 = tpu.vector_load_idx %arg14[%add3A_163] : memref<8192xf32, #tpu.memory_space<vmem>>[vector<16xi32>], vector<16xf32>,
      %add3A_165 = arith.addf %add3A_160, %gather3A_164 : vector<16xf32>
      %add3A_166 = arith.constant 9 : i32
      %add3A_167 = vector.broadcast %add3A_166 : i32 to vector<16xi32>
      %add3A_168 = arith.addi %mul3A_124, %add3A_167 : vector<16xi32>
      %gather3A_169 = tpu.vector_load_idx %arg14[%add3A_168] : memref<8192xf32, #tpu.memory_space<vmem>>[vector<16xi32>], vector<16xf32>,
      %add3A_170 = arith.addf %add3A_165, %gather3A_169 : vector<16xf32>
      %add3A_171 = arith.constant 10 : i32
      %add3A_172 = vector.broadcast %add3A_171 : i32 to vector<16xi32>
      %add3A_173 = arith.addi %mul3A_124, %add3A_172 : vector<16xi32>
      %gather3A_174 = tpu.vector_load_idx %arg14[%add3A_173] : memref<8192xf32, #tpu.memory_space<vmem>>[vector<16xi32>], vector<16xf32>,
      %add3A_175 = arith.addf %add3A_170, %gather3A_174 : vector<16xf32>
      %add3A_176 = arith.constant 11 : i32
      %add3A_177 = vector.broadcast %add3A_176 : i32 to vector<16xi32>
      %add3A_178 = arith.addi %mul3A_124, %add3A_177 : vector<16xi32>
      %gather3A_179 = tpu.vector_load_idx %arg14[%add3A_178] : memref<8192xf32, #tpu.memory_space<vmem>>[vector<16xi32>], vector<16xf32>,
      %add3A_180 = arith.addf %add3A_175, %gather3A_179 : vector<16xf32>
      %add3A_181 = arith.constant 12 : i32
      %add3A_182 = vector.broadcast %add3A_181 : i32 to vector<16xi32>
      %add3A_183 = arith.addi %mul3A_124, %add3A_182 : vector<16xi32>
      %gather3A_184 = tpu.vector_load_idx %arg14[%add3A_183] : memref<8192xf32, #tpu.memory_space<vmem>>[vector<16xi32>], vector<16xf32>,
      %add3A_185 = arith.addf %add3A_180, %gather3A_184 : vector<16xf32>
      %add3A_186 = arith.constant 13 : i32
      %add3A_187 = vector.broadcast %add3A_186 : i32 to vector<16xi32>
      %add3A_188 = arith.addi %mul3A_124, %add3A_187 : vector<16xi32>
      %gather3A_189 = tpu.vector_load_idx %arg14[%add3A_188] : memref<8192xf32, #tpu.memory_space<vmem>>[vector<16xi32>], vector<16xf32>,
      %add3A_190 = arith.addf %add3A_185, %gather3A_189 : vector<16xf32>
      %add3A_191 = arith.constant 14 : i32
      %add3A_192 = vector.broadcast %add3A_191 : i32 to vector<16xi32>
      %add3A_193 = arith.addi %mul3A_124, %add3A_192 : vector<16xi32>
      %gather3A_194 = tpu.vector_load_idx %arg14[%add3A_193] : memref<8192xf32, #tpu.memory_space<vmem>>[vector<16xi32>], vector<16xf32>,
      %add3A_195 = arith.addf %add3A_190, %gather3A_194 : vector<16xf32>
      %add3A_196 = arith.constant 15 : i32
      %add3A_197 = vector.broadcast %add3A_196 : i32 to vector<16xi32>
      %add3A_198 = arith.addi %mul3A_124, %add3A_197 : vector<16xi32>
      %gather3A_199 = tpu.vector_load_idx %arg14[%add3A_198] : memref<8192xf32, #tpu.memory_space<vmem>>[vector<16xi32>], vector<16xf32>,
      %add3A_200 = arith.addf %add3A_195, %gather3A_199 : vector<16xf32>
      %mul3A_201 = arith.constant 16 : i32
      %mul3A_202 = arith.muli %scan3A_117, %mul3A_201 : i32
      %swap3A_203 = arith.index_cast %mul3A_202 : i32 to index
      %swap3A_204 = tpu.vector_load %arg15[%swap3A_203] {strides = array<i32>} : memref<512xf32, #tpu.memory_space<vmem>>, vector<16xf32>,
      tpu.vector_store %arg15[%swap3A_203], %add3A_200 {strides = array<i32>} : memref<512xf32, #tpu.memory_space<vmem>>, vector<16xf32>,
    }
    %scan3A_29 = arith.constant 32 : i32
    "tpu.region"() ({
      %run_scoped3A = tpu.sem_alloc : memref<!tpu.dma_semaphore, #tpu.memory_space<semaphore_mem>>
      %dma_start3A_30 = tpu.memref_slice %arg7[%mul3A_2] : memref<16384xf32, #tpu.memory_space<hbm>> -> memref<512xf32, #tpu.memory_space<hbm>>
      %dma_start3A_31 = tpu.memref_slice %arg7[%mul3A_2] : memref<16384xf32, #tpu.memory_space<hbm>> -> memref<512xf32, #tpu.memory_space<hbm>>
      tpu.enqueue_dma source(%arg15 : memref<512xf32, #tpu.memory_space<vmem>>) target(%dma_start3A_31 : memref<512xf32, #tpu.memory_space<hbm>>) target_semaphore(%run_scoped3A : memref<!tpu.dma_semaphore, #tpu.memory_space<semaphore_mem>>)
      %dma_wait3A_32 = tpu.memref_slice %arg7[%mul3A_2] : memref<16384xf32, #tpu.memory_space<hbm>> -> memref<512xf32, #tpu.memory_space<hbm>>
      %dma_wait3A_33 = tpu.memref_slice %arg7[%mul3A_2] : memref<16384xf32, #tpu.memory_space<hbm>> -> memref<512xf32, #tpu.memory_space<hbm>>
      tpu.wait_dma2 semaphore(%run_scoped3A : memref<!tpu.dma_semaphore, #tpu.memory_space<semaphore_mem>>) src(%arg15 : memref<512xf32, #tpu.memory_space<vmem>>) dst(%dma_wait3A_33 : memref<512xf32, #tpu.memory_space<hbm>>)
      tpu.yield
    }) : () -> ()
    return
  }
}

</mosaic_0001>

<sc_bundles>
// kernel: kernel.3.cloned.1.call-start
scs
__scs_entry_jumppad:
0x0: {  	(pc) =	sbr.rel $0x88, $3  }
0x1: {  	(tag) =	ssettag $0x0;
	lr =	simm.s32 $0x1  }
0x2: {  	[smem:$0x3F9C] =	sst lr;
	_ =	strace $0xD0000000  }
0x3: {  	_ = 	snop  }
0x4: {  	_ = 	snop  }
0x5: {  	_ = 	snop  }
0x6: {  	_ = 	snop  }
0x7: {  	_ = 	snop  }
__scs_overlays_trampoline_lowered:
0x8: {  	[smem:$0x3FAB] =	sst s0  }
0x9: {  	[smem:$0x3FAC] =	sst s1  }
0xa: {  	[smem:$0x3FAD] =	sst s2  }
0xb: {  	[smem:$0x3FAE] =	sst s3  }
0xc: {  	[smem:$0x3FAF] =	sst s4  }
0xd: {  	[smem:$0x3FB0] =	sst s5  }
0xe: {  	[smem:$0x3FB1] =	sst s6  }
0xf: {  	[smem:$0x3FB2] =	sst s7  }
0x10: {  	[smem:$0x3FB3] =	sst s8  }
0x11: {  	[smem:$0x3FB4] =	sst s9;
	s0 =	simm.s32 @!p0 $0x0  }
0x12: {  	s1 =	sld [smem:$0x3F9A];
	s0 =	simm.s32 @p0 $0x1  }
0x13: {  	[smem:$0x3FB5] =	sst s0;
	s0 =	simm.s32 @!p1 $0x0  }
0x14: {  	s2 =	sld [smem:$0x3F99];
	s0 =	simm.s32 @p1 $0x1  }
0x15: {  	[smem:$0x3FB6] =	sst s0;
	s0 =	simm.s32 @!p2 $0x0  }
0x16: {  	s3 =	sld [smem:$0x3FDB];
	s0 =	simm.s32 @p2 $0x1  }
0x17: {  	s4 =	simm.s32 $0x1BF5;
	[smem:$0x3FB8] =	sst s0  }
0x18: {  	s0 =	sld [smem:$0x3F9B];
	_ =	swait.ge [sflag:s4], $0x0  }
0x19: {  	s7 =	sld [smem:$0x3F9C]  }
0x1a: {  	s8 =	sadd.s32 $0xFFFFE003, lr  }
0x1b: {  	s9 =	sadd.s32 $0xFFFFFEF7, lr;
	s5 =	simm.s32 $0xFFFFFFFF;
	p2 =	slt.u32 s8, $0xFFFFF086  }
0x1c: {  	p1 =	slt.u32 s9, $0xF7A;
	s5 =	simm.s32 @!p2 $0x0  }
0x1d: {  	s5 =	simm.s32 @p1 $0x1;
	p0 =	seq.s32 s7, s2  }
0x1e: {  	s7 =	smul.u32 @!p0 $0xF7A, s2;
	p2 =	seq.s32 @!p0 s5, $0x0  }
0x1f: {  	s9 =	smul.u32 $0xF7A, s1;
	s8 =	simm.s32 @!p0 $0x1BF5;
	p2 =	por !p2, p0  }
0x20: {  	[sflag:s8] =	ssyncset.s32 @!p0 $0xFFFFF086;
	s6 =	sadd.s32 @!p0 s3, s7;
	s7 =	simm.s32 @!p0 $0x108  }
0x21: {  	s3 =	sadd.s32 s3, s9;
	s6 =	sadd.s32 @!p0 $0x88, s6;
	s7 =	simm.s32 @p2 $0x1082  }
0x22: {  	[simem:s7], [sflag:s8] =	dma.local @!p0 [hbm:s6], $0xF7A  }
0x23: {  	s9 =	sor.u32 $0xD0000000, s2;
	s6 =	simm.s32 $0x108;
	_ =	swait.ge @!p0 [sflag:s8], $0x0  }
0x24: {  	s3 =	sadd.s32 $0x88, s3;
	s6 =	simm.s32 @!p1 $0x1082;
	[sflag:s4] =	ssyncset.s32 $0xFFFFF086  }
0x25: {  	[simem:s6], [sflag:s4] =	dma.local [hbm:s3], $0xF7A  }
0x26: {  	[smem:$0x3F9C] =	sst s1;
	(tag) =	ssettag s2;
	_ =	strace s9  }
0x27: {  	s1 =	sld [smem:$0x3FAC]  }
0x28: {  	s2 =	sld [smem:$0x3FAD]  }
0x29: {  	s4 =	sld [smem:$0x3FAF]  }
0x2a: {  	p0 =	seq.s32 s5, $0x0;
	s5 =	sld [smem:$0x3FB0]  }
0x2b: {  	s6 =	sld [smem:$0x3FB1]  }
0x2c: {  	s7 =	sld [smem:$0x3FB2]  }
0x2d: {  	s3 =	simm.s32 $0x108;
	s8 =	sld [smem:$0x3FB3]  }
0x2e: {  	s3 =	simm.s32 @!p0 $0x1082;
	s9 =	sld [smem:$0x3FB4]  }
0x2f: {  	lr =	sadd.s32 s0, s3;
	s0 =	sld [smem:$0x3FAB]  }
0x30: {  	s3 =	sld [smem:$0x3FAE]  }
0x31: {  	[smem:$0x3FB7] =	sst s10  }
0x32: {  	s10 =	sld [smem:$0x3FB5];
	_ =	sdelay $0x3  }
0x33: {  	p0 =	seq.s32 s10, $0x1;
	s10 =	sld [smem:$0x3FB7];
	_ =	sdelay $0x3  }
0x34: {  	[smem:$0x3FB7] =	sst s10  }
0x35: {  	s10 =	sld [smem:$0x3FB6];
	_ =	sdelay $0x3  }
0x36: {  	p1 =	seq.s32 s10, $0x1;
	s10 =	sld [smem:$0x3FB7];
	_ =	sdelay $0x3  }
0x37: {  	[smem:$0x3FB7] =	sst s10  }
0x38: {  	s10 =	sld [smem:$0x3FB8]  }
0x39: {  	_ = 	snop;
	(pc) =	sbr.ind lr, $3  }
0x3a: {  	_ = 	snop  }
0x3b: {  	_ = 	snop  }
0x3c: {  	p2 =	seq.s32 s10, $0x1;
	s10 =	sld [smem:$0x3FB7]  }
0x3d: {  	_ =	shalt  }
0x3e: {  	_ =	shalt  }
0x3f: {  	_ =	shalt  }
0x40: {  	_ =	shalt  }
0x41: {  	_ =	shalt  }
0x42: {  	_ =	shalt  }
0x43: {  	_ =	shalt  }
0x44: {  	_ =	shalt  }
0x45: {  	_ =	shalt  }
0x46: {  	_ =	shalt  }
0x47: {  	_ =	shalt  }
0x48: {  	_ =	shalt  }
0x49: {  	_ =	shalt  }
0x4a: {  	_ =	shalt  }
0x4b: {  	_ =	shalt  }
0x4c: {  	_ =	shalt  }
0x4d: {  	_ =	shalt  }
0x4e: {  	_ =	shalt  }
0x4f: {  	_ =	shalt  }
0x50: {  	_ =	shalt  }
0x51: {  	_ =	shalt  }
0x52: {  	_ =	shalt  }
0x53: {  	_ =	shalt  }
0x54: {  	_ =	shalt  }
0x55: {  	_ =	shalt  }
0x56: {  	_ =	shalt  }
0x57: {  	_ =	shalt  }
0x58: {  	_ =	shalt  }
0x59: {  	_ =	shalt  }
0x5a: {  	_ =	shalt  }
0x5b: {  	_ =	shalt  }
0x5c: {  	_ =	shalt  }
0x5d: {  	_ =	shalt  }
0x5e: {  	_ =	shalt  }
0x5f: {  	_ =	shalt  }
0x60: {  	_ =	shalt  }
0x61: {  	_ =	shalt  }
0x62: {  	_ =	shalt  }
0x63: {  	_ =	shalt  }
0x64: {  	_ =	shalt  }
0x65: {  	_ =	shalt  }
0x66: {  	_ =	shalt  }
0x67: {  	_ =	shalt  }
0x68: {  	_ =	shalt  }
0x69: {  	_ =	shalt  }
0x6a: {  	_ =	shalt  }
0x6b: {  	_ =	shalt  }
0x6c: {  	_ =	shalt  }
0x6d: {  	_ =	shalt  }
0x6e: {  	_ =	shalt  }
0x6f: {  	_ =	shalt  }
0x70: {  	_ =	shalt  }
0x71: {  	_ =	shalt  }
0x72: {  	_ =	shalt  }
0x73: {  	_ =	shalt  }
0x74: {  	_ =	shalt  }
0x75: {  	_ =	shalt  }
0x76: {  	_ =	shalt  }
0x77: {  	_ =	shalt  }
0x78: {  	_ =	shalt  }
0x79: {  	_ =	shalt  }
0x7a: {  	_ =	shalt  }
0x7b: {  	_ =	shalt  }
0x7c: {  	_ =	shalt  }
0x7d: {  	_ =	shalt  }
0x7e: {  	_ =	shalt  }
0x7f: {  	_ =	shalt  }
0x80: {  	_ =	shalt  }
0x81: {  	_ =	shalt  }
0x82: {  	_ =	shalt  }
0x83: {  	_ =	shalt  }
0x84: {  	_ =	shalt  }
0x85: {  	_ =	shalt  }
0x86: {  	_ =	shalt  }
0x87: {  	_ =	shalt  }
.Lfunc_end0:
.L_simem_size_0:
called_computation_lowered:
.L_overlay_start_0:
0x88: {  	s2 =	sld [smem:$0x3FD9]  }
0x89: {  	s3 =	sld [smem:$0x3FFE];
	_ =	sdelay $0x1  }
0x8a: {  	s1 =	srdreg.scid  }
0x8b: {  	s0 =	sand.u32 $0x1, s1  }
0x8c: {  	s17 =	sshll.u32 s0, $0xA;
	s2 =	sadd.s32 s3, s2  }
0x8d: {  	s2 =	sadd.s32 s2, s17  }
0x8e: {  	[smem:$0x3FC3] =	sst s2  }
0x8f: {  	_ = 	snop  }
0x90: {  	s2 =	sld [smem:$0x3FC9]  }
0x91: {  	s18 =	sld [smem:$0x3FC8]  }
0x92: {  	s4 =	sld [smem:$0x3FC7]  }
0x93: {  	s5 =	sld [smem:$0x3FD0];
	(tm) =	ssettm $0x1  }
0x94: {  	s6 =	sld [smem:$0x3FFB];
	_ =	sdelay $0x3  }
0x95: {  	_ =	strace s6  }
0x96: {  	s6 =	sld [smem:$0x3FFC];
	_ =	sdelay $0x3  }
0x97: {  	_ =	strace s6  }
0x98: {  	s6 =	sld [smem:$0x3FFD];
	_ =	sdelay $0x3  }
0x99: {  	_ =	strace s6  }
0x9a: {  	_ =	strace $0x8FFFFFFF  }
0x9b: {  	s19 =	sld [smem:$0x3FDB];
	_ =	sdelay $0x1  }
0x9c: {  	s7 =	simm.s32 $_scs_section_size  }
0x9d: {  	s8 =	simm.s32 $_size__tile_overlayer_lowered;
	s9 =	simm.s32 $_tile_overlayer_lowered  }
0x9e: {  	s22 =	simm.s32 $0x1BFF;
	s21 =	sshll.u32 s9, $0x1;
	s6 =	sadd.s32 s7, s19  }
0x9f: {  	s10 =	simm.s32 $0x0;
	s20 =	sshll.u32 s8, $0x1;
	s8 =	sadd.s32 s21, s6  }
0xa0: {  	[timem:s10], [sflag:s22] =	dma.local [hbm:s8], s20  }
0xa1: {  	_ =	swait.ge [sflag:s22], s20  }
0xa2: {  	s7 =	ssub.s32 $0x0, s20;
	[sflag:s22] =	ssyncset.done $0x0  }
0xa3: {  	[sflag:s22] =	ssyncadd.s32 s7;
	_ =	sdelay $0x1  }
0xa4: {  	s23 =	simm.s32 $0x1B8B  }
0xa5: {  	_ =	swait.ge [sflag:s23], $0x1  }
0xa6: {  	[sflag:s23] =	ssyncset.done $0x0  }
0xa7: {  	s25 =	simm.s32 $0x1B8E;
	s24 =	sld [smem:$0x3FFE];
	[sflag:s23] =	ssyncadd.s32 $0xFFFFFFFF  }
0xa8: {  	s26 =	simm.s32 $execute0_lowered;
	[smem:$0x3FD2] =	sst s25  }
0xa9: {  	s8 =	sshll.u32 s26, $0x1;
	_ =	strace $0x80000046;
	[dreg:$0x1] =	wrdreg $0xFFFFFFFF  }
0xaa: {  	s28 =	simm.s32 $_size_execute0_lowered;
	s6 =	sadd.s32 s6, s8;
	[dreg:$0x0] =	wrdreg $0x0  }
0xab: {  	s8 =	sshll.u32 s28, $0x1;
	[dreg:$0x2] =	wrdreg s6  }
0xac: {  	[dreg:$0x3] =	wrdreg s8  }
0xad: {  	[dreg:$0x4] =	wrdreg $0xC0  }
0xae: {  	_ =	task [dreg:s10], $0x5FFFF  }
0xaf: {  	[dreg:$0x1] =	wrdreg $0xFFFFFFFF  }
0xb0: {  	[dreg:$0x0] =	wrdreg $0x60  }
0xb1: {  	[dreg:$0x2] =	wrdreg s2  }
0xb2: {  	[dreg:$0x3] =	wrdreg s18  }
0xb3: {  	[dreg:$0x4] =	wrdreg s4  }
0xb4: {  	[dreg:$0x5] =	wrdreg s24  }
0xb5: {  	[dreg:$0x6] =	wrdreg s5  }
0xb6: {  	[dreg:$0x7] =	wrdreg $0x9  }
0xb7: {  	_ =	task.clear_ibuf [dreg:s10], $0x8FFFF;
	_ =	strace $0x90000046  }
0xb8: {  	s29 =	simm.s32 $0x9;
	_ =	strace $0x80000048  }
0xb9: {  	_ =	swait.ge [sflag:s29], $0x1  }
0xba: {  	[sflag:s29] =	ssyncadd.s32 $0xFFFFFFFF  }
0xbb: {  	_ =	strace $0x90000048  }
0xbc: {  	_ =	sfence  }
0xbd: {  	s30 =	sld [smem:$0x0];
	_ =	sdelay $0x2  }
0xbe: {  	s31 =	sshll.u32 s1, $0xD;
	s1 =	sshrl.u32 s1, $0x2  }
0xbf: {  	s3 =	sand.u32 $0x4000, s31;
	s1 =	sadd.s32 s1, s30  }
0xc0: {  	s0 =	sor.u32 s3, s0;
	s1 =	sshll.u32 s1, $0x11  }
0xc1: {  	s0 =	sor.u32 s1, s0  }
0xc2: {  	s0 =	sadd.s32 $0x8F2B, s0  }
0xc3: {  	[sflag:s0] =	ssyncadd.remote.s32 $0x1  }
0xc4: {  	_ =	sfence.sel $0xFFFF  }
0xc5: {  	[dreg:$0x0] =	wrdreg $0xFFFFFFFF;
	(pc) =	sbr.abs _section_cstart, $3  }
0xc6: {  	[dreg:$0x1] =	wrdreg $0xFFFFFFFF  }
0xc7: {  	_ =	task.clear_ibuf [dreg:s10], $0x2FFFF;
	_ =	strace $0x9FFFFFFF  }
0xc8: {  	(tm) =	ssettm $0x7FFFFFFF  }
0xc9: {  	_ =	shalt  }
tec
execute0_lowered:
.L_overlay_start_1:
0x0: {  	(tag) =	ssettag $0x1  }
0x1: {  	s5 =	rddreg [dreg:$0x0]  }
0x2: {  	s6 =	rddreg [dreg:$0x1]  }
0x3: {  	s7 =	rddreg [dreg:$0x2]  }
0x4: {  	s4 =	rddreg [dreg:$0x3]  }
0x5: {  	s8 =	rddreg [dreg:$0x4]  }
0x6: {  	s0 =	rddreg [dreg:$0x5]  }
0x7: {  	s1 =	simm.s32 $0x0;
	s2 =	srdreg.scid;
	s13 =	simm.s32 $0x600  }
0x8: {  	s14 =	simm.s32 $0x8600;
	s15 =	simm.s32 $0x10600;
	s16 =	simm.s32 $0x1  }
0x9: {  	s17 =	simm.s32 $0x18600;
	s18 =	simm.s32 $0x1A600;
	s19 =	simm.s32 $0x0  }
0xa: {  	s26 =	simm.s32 $0x10;
	[smem:$0x7FF] =	sst s1;
	s9 =	sand.u32 $0x1, s2  }
0xb: {  	s3 =	sadd.s32 $0xF42A00, s4;
	s2 =	stileid.u32;
	s4 =	sadd.s32 $0x600, s4  }
0xc: {  	s10 =	ssub.s32 $0x2, s9;
	s12 =	sshll.u32 s2, $0x7;
	s9 =	sshll.u32 s9, $0x6  }
0xd: {  	_ =	strace $0x80000047;
	s11 =	sshrl.u32 s10, $0x1;
	s9 =	sor.u32 s9, s12  }
0xe: {  	s12 =	simm.s32 $0x400;
	s10 =	ssub.s32 s10, s11;
	s5 =	sadd.s32 s5, s9  }
0xf: {  	v0 =	vlaneseq.u32;
	s6 =	sadd.s32 s6, s9;
	s7 =	sadd.s32 s7, s9;
	s8 =	sadd.s32 s8, s9  }
0x10: {  	v0 =	vmul.u32 $0x10, v0;
	s11 =	simm.s32 $0x200;
	s9 =	smax.u32 s10, $0x1;
	s10 =	simm.s32 $0x2  }
.LBB2_1:
0x11: {  	[tilespmem:s1], [sflag:$0x2] =	stream.linear.gather [hbm4b:s5+s1], $0x200, $0x38;
	[tilespmem:$0x1A800] =	vst v63  }
0x12: {  	_ =	swait.ge [sflag:s10], $0x200  }
0x13: {  	[sflag:s10] =	ssyncset.done $0x0  }
0x14: {  	[sflag:s10] =	ssyncadd.s32 $0xFFFFFE00  }
0x15: {  	[tilespmem:s11], [sflag:$0x2] =	stream.linear.gather [hbm4b:s6+s1], $0x200, $0x38;
	[tilespmem:$0x1A800] =	vst v63  }
0x16: {  	_ =	swait.ge [sflag:s10], $0x200  }
0x17: {  	[sflag:s10] =	ssyncset.done $0x0  }
0x18: {  	[sflag:s10] =	ssyncadd.s32 $0xFFFFFE00  }
0x19: {  	[tilespmem:s12], [sflag:$0x2] =	stream.linear.gather [hbm4b:s7+s1], $0x200, $0x38;
	[tilespmem:$0x1A800] =	vst v63  }
0x1a: {  	_ =	swait.ge [sflag:s10], $0x200  }
0x1b: {  	[sflag:s10] =	ssyncset.done $0x0  }
0x1c: {  	[sflag:s10] =	ssyncadd.s32 $0xFFFFFE00  }
0x1d: {  	[tilespmem:s13], [sflag:$0x1] =	stream.indirect.gather [hbm4b:s3+s11], $0x40, s1, s11, $0xb8;
	[tilespmem:$0x1A800] =	vst v63  }
0x1e: {  	_ = 	snop  }
0x1f: {  	[tilespmem:s14], [sflag:$0x1] =	stream.indirect.gather [hbm4b:s4+s11], $0x40, s11, s11, $0xb8;
	[tilespmem:$0x1A800] =	vst v63  }
0x20: {  	_ = 	snop  }
0x21: {  	[tilespmem:s15], [sflag:$0x1] =	stream.indirect.gather [hbm4b:s3+s11], $0x40, s12, s11, $0xb8;
	[tilespmem:$0x1A800] =	vst v63  }
0x22: {  	_ =	swait.ge [sflag:s16], $0x8000  }
0x23: {  	[sflag:s16] =	ssyncset.done $0x0  }
0x24: {  	[sflag:s16] =	ssyncadd.s32 $0xFFFF8000  }
0x25: {  	_ =	swait.ge [sflag:s16], $0x8000  }
0x26: {  	[sflag:s16] =	ssyncset.done $0x0  }
0x27: {  	[sflag:s16] =	ssyncadd.s32 $0xFFFF8000  }
0x28: {  	s21 =	simm.s32 $0xFFFFFFFC;
	_ =	swait.ge [sflag:s16], $0x8000  }
0x29: {  	s22 =	simm.s32 $0x10680;
	s23 =	simm.s32 $0x8680;
	[sflag:s16] =	ssyncset.done $0x0  }
0x2a: {  	s24 =	simm.s32 $0x680;
	s25 =	simm.s32 $0x18620;
	[sflag:s16] =	ssyncadd.s32 $0xFFFF8000  }
.LBB2_2:
0x2b: {  	v1 =	vld [tilespmem:s24+$0xFFFFFF80]  }
0x2c: {  	v2 =	vld [tilespmem:s23+$0xFFFFFF80]  }
0x2d: {  	v3 =	vld [tilespmem:s22+$0xFFFFFF80]  }
0x2e: {  	v4 =	vld [tilespmem:s24+$0xFFFFFF90]  }
0x2f: {  	v5 =	vld [tilespmem:s23+$0xFFFFFF90]  }
0x30: {  	v6 =	vld [tilespmem:s22+$0xFFFFFF90]  }
0x31: {  	v7 =	vld [tilespmem:s24+$0xFFFFFFA0]  }
0x32: {  	v8 =	vld [tilespmem:s23+$0xFFFFFFA0]  }
0x33: {  	v9 =	vld [tilespmem:s22+$0xFFFFFFA0]  }
0x34: {  	v10 =	vld [tilespmem:s24+$0xFFFFFFB0]  }
0x35: {  	v1 =	vmul.f32 v2, v1;
	v2 =	vld [tilespmem:s23+$0xFFFFFFB0]  }
0x36: {  	v4 =	vmul.f32 v5, v4  }
0x37: {  	v1 =	vmul.f32 v3, v1;
	v3 =	vld [tilespmem:s22+$0xFFFFFFB0]  }
0x38: {  	v35 =	vmul.f32 v8, v7;
	v4 =	vmul.f32 v6, v4;
	_ =	sdelay $0x1  }
0x39: {  	v36 =	vmul.f32 v9, v35;
	v1 =	vadd.f32 v4, v1;
	v2 =	vmul.f32 v2, v10;
	_ =	sdelay $0x1  }
0x3a: {  	v1 =	vadd.f32 v36, v1;
	v2 =	vmul.f32 v3, v2;
	_ =	sdelay $0x1  }
0x3b: {  	v1 =	vadd.f32 v2, v1;
	_ =	sdelay $0x1  }
0x3c: {  	[tilespmem:s25+$0xFFFFFFE0] =	vst v1  }
0x3d: {  	v1 =	vld [tilespmem:s24+$0xFFFFFFC0]  }
0x3e: {  	v2 =	vld [tilespmem:s23+$0xFFFFFFC0]  }
0x3f: {  	v3 =	vld [tilespmem:s22+$0xFFFFFFC0]  }
0x40: {  	v37 =	vld [tilespmem:s24+$0xFFFFFFD0]  }
0x41: {  	v38 =	vld [tilespmem:s23+$0xFFFFFFD0]  }
0x42: {  	v39 =	vld [tilespmem:s22+$0xFFFFFFD0]  }
0x43: {  	v40 =	vld [tilespmem:s24+$0xFFFFFFE0]  }
0x44: {  	v41 =	vld [tilespmem:s23+$0xFFFFFFE0]  }
0x45: {  	v42 =	vld [tilespmem:s22+$0xFFFFFFE0]  }
0x46: {  	v43 =	vld [tilespmem:s24+$0xFFFFFFF0]  }
0x47: {  	v1 =	vmul.f32 v2, v1;
	v2 =	vld [tilespmem:s23+$0xFFFFFFF0]  }
0x48: {  	v4 =	vmul.f32 v38, v37  }
0x49: {  	v1 =	vmul.f32 v3, v1;
	v3 =	vld [tilespmem:s22+$0xFFFFFFF0]  }
0x4a: {  	v44 =	vmul.f32 v41, v40;
	v4 =	vmul.f32 v39, v4;
	_ =	sdelay $0x1  }
0x4b: {  	v45 =	vmul.f32 v42, v44;
	v1 =	vadd.f32 v4, v1;
	v2 =	vmul.f32 v2, v43;
	_ =	sdelay $0x1  }
0x4c: {  	v1 =	vadd.f32 v45, v1;
	v2 =	vmul.f32 v3, v2;
	_ =	sdelay $0x1  }
0x4d: {  	v1 =	vadd.f32 v2, v1;
	_ =	sdelay $0x1  }
0x4e: {  	[tilespmem:s25+$0xFFFFFFF0] =	vst v1  }
0x4f: {  	v1 =	vld [tilespmem:s24+$0x0]  }
0x50: {  	v2 =	vld [tilespmem:s23+$0x0]  }
0x51: {  	v3 =	vld [tilespmem:s22+$0x0]  }
0x52: {  	v46 =	vld [tilespmem:s24+$0x10]  }
0x53: {  	v47 =	vld [tilespmem:s23+$0x10]  }
0x54: {  	v48 =	vld [tilespmem:s22+$0x10]  }
0x55: {  	v49 =	vld [tilespmem:s24+$0x20]  }
0x56: {  	v50 =	vld [tilespmem:s23+$0x20]  }
0x57: {  	v51 =	vld [tilespmem:s22+$0x20]  }
0x58: {  	v52 =	vld [tilespmem:s24+$0x30]  }
0x59: {  	v1 =	vmul.f32 v2, v1;
	v2 =	vld [tilespmem:s23+$0x30]  }
0x5a: {  	v4 =	vmul.f32 v47, v46  }
0x5b: {  	v1 =	vmul.f32 v3, v1;
	v3 =	vld [tilespmem:s22+$0x30]  }
0x5c: {  	v53 =	vmul.f32 v50, v49;
	v4 =	vmul.f32 v48, v4;
	_ =	sdelay $0x1  }
0x5d: {  	v54 =	vmul.f32 v51, v53;
	v1 =	vadd.f32 v4, v1;
	v2 =	vmul.f32 v2, v52;
	_ =	sdelay $0x1  }
0x5e: {  	v1 =	vadd.f32 v54, v1;
	v2 =	vmul.f32 v3, v2;
	_ =	sdelay $0x1  }
0x5f: {  	v1 =	vadd.f32 v2, v1;
	_ =	sdelay $0x1  }
0x60: {  	[tilespmem:s25+$0x0] =	vst v1  }
0x61: {  	v1 =	vld [tilespmem:s24+$0x40]  }
0x62: {  	v2 =	vld [tilespmem:s23+$0x40]  }
0x63: {  	v3 =	vld [tilespmem:s22+$0x40]  }
0x64: {  	v55 =	vld [tilespmem:s24+$0x50]  }
0x65: {  	v56 =	vld [tilespmem:s23+$0x50]  }
0x66: {  	v57 =	vld [tilespmem:s22+$0x50]  }
0x67: {  	v58 =	vld [tilespmem:s24+$0x60]  }
0x68: {  	v59 =	vld [tilespmem:s23+$0x60]  }
0x69: {  	v60 =	vld [tilespmem:s22+$0x60]  }
0x6a: {  	v61 =	vld [tilespmem:s24+$0x70]  }
0x6b: {  	v1 =	vmul.f32 v2, v1;
	v2 =	vld [tilespmem:s23+$0x70]  }
0x6c: {  	v4 =	vmul.f32 v56, v55  }
0x6d: {  	v1 =	vmul.f32 v3, v1;
	v3 =	vld [tilespmem:s22+$0x70]  }
0x6e: {  	v62 =	vmul.f32 v59, v58;
	v4 =	vmul.f32 v57, v4;
	_ =	sdelay $0x1  }
0x6f: {  	s21 =	sadd.s32 $0x4, s21;
	v63 =	vmul.f32 v60, v62;
	v1 =	vadd.f32 v4, v1;
	v2 =	vmul.f32 v2, v61  }
0x70: {  	p0 =	slt.u32 s21, $0x1FC  }
.Ltmp0:
0x71: {  	v1 =	vadd.f32 v63, v1;
	v2 =	vmul.f32 v3, v2;
	(pc) =	sbr.rel @p0 .LBB2_2-.Ltmp0, $4  }
0x72: {  	_ = 	snop  }
0x73: {  	v1 =	vadd.f32 v2, v1  }
0x74: {  	s20 =	simm.s32 $0x1A610;
	s24 =	sadd.s32 $0x100, s24  }
0x75: {  	s23 =	sadd.s32 $0x100, s23;
	s22 =	sadd.s32 $0x100, s22;
	[tilespmem:s25+$0x10] =	vst v1;
	s25 =	sadd.s32 $0x40, s25  }
0x76: {  	s21 =	simm.s32 $0x0  }
0x77: {  	v1 =	vmov s21  }
0x78: {  	v1 =	vshll.u32 v1, $0x4  }
0x79: {  	v1 =	vor.u32 v0, v1  }
0x7a: {  	v2 =	vor.u32 $0x1, v1;
	_ =	sdelay $0x1  }
0x7b: {  	v3 =	vor.u32 $0x2, v1;
	_ =	sdelay $0x1  }
0x7c: {  	v4 =	vor.u32 $0x3, v1;
	v5 =	vld.idx.msk [tilespmem:v1+s17+$0x0], $0xffff  }
0x7d: {  	v2 =	vld.idx.msk [tilespmem:v2+s17+$0x0], $0xffff  }
0x7e: {  	v6 =	vor.u32 $0x4, v1  }
0x7f: {  	v3 =	vld.idx.msk [tilespmem:v3+s17+$0x0], $0xffff  }
0x80: {  	v7 =	vor.u32 $0x5, v1  }
0x81: {  	v4 =	vld.idx.msk [tilespmem:v4+s17+$0x0], $0xffff  }
0x82: {  	v8 =	vor.u32 $0x6, v1;
	v2 =	vadd.f32 v2, v5  }
0x83: {  	v5 =	vld.idx.msk [tilespmem:v6+s17+$0x0], $0xffff  }
0x84: {  	v6 =	vor.u32 $0x7, v1;
	v2 =	vadd.f32 v3, v2  }
0x85: {  	v3 =	vld.idx.msk [tilespmem:v7+s17+$0x0], $0xffff  }
0x86: {  	v7 =	vor.u32 $0x8, v1;
	v2 =	vadd.f32 v4, v2  }
0x87: {  	v4 =	vld.idx.msk [tilespmem:v8+s17+$0x0], $0xffff  }
0x88: {  	v8 =	vor.u32 $0x9, v1;
	v2 =	vadd.f32 v5, v2  }
0x89: {  	v5 =	vld.idx.msk [tilespmem:v6+s17+$0x0], $0xffff  }
0x8a: {  	v6 =	vor.u32 $0xA, v1;
	v2 =	vadd.f32 v3, v2  }
0x8b: {  	v3 =	vld.idx.msk [tilespmem:v7+s17+$0x0], $0xffff  }
0x8c: {  	v7 =	vor.u32 $0xB, v1;
	v2 =	vadd.f32 v4, v2  }
0x8d: {  	v4 =	vld.idx.msk [tilespmem:v8+s17+$0x0], $0xffff  }
0x8e: {  	v8 =	vor.u32 $0xC, v1;
	v2 =	vadd.f32 v5, v2  }
0x8f: {  	v5 =	vld.idx.msk [tilespmem:v6+s17+$0x0], $0xffff  }
0x90: {  	v6 =	vor.u32 $0xD, v1;
	v2 =	vadd.f32 v3, v2  }
0x91: {  	v3 =	vld.idx.msk [tilespmem:v7+s17+$0x0], $0xffff  }
0x92: {  	v7 =	vor.u32 $0xE, v1;
	v2 =	vadd.f32 v4, v2  }
0x93: {  	v4 =	vld.idx.msk [tilespmem:v8+s17+$0x0], $0xffff  }
0x94: {  	v1 =	vor.u32 $0xF, v1;
	v2 =	vadd.f32 v5, v2  }
0x95: {  	v5 =	vld.idx.msk [tilespmem:v6+s17+$0x0], $0xffff  }
0x96: {  	v2 =	vadd.f32 v3, v2  }
0x97: {  	v3 =	vld.idx.msk [tilespmem:v7+s17+$0x0], $0xffff  }
0x98: {  	v2 =	vadd.f32 v4, v2  }
0x99: {  	v1 =	vld.idx.msk [tilespmem:v1+s17+$0x0], $0xffff  }
0x9a: {  	v4 =	vmov s26;
	v2 =	vadd.f32 v5, v2  }
0x9b: {  	v4 =	vshll.u32 v4, $0x4  }
0x9c: {  	v4 =	vor.u32 v0, v4;
	v2 =	vadd.f32 v3, v2  }
0x9d: {  	v3 =	vor.u32 $0x1, v4  }
0x9e: {  	v1 =	vadd.f32 v1, v2  }
0x9f: {  	v2 =	vor.u32 $0x2, v4  }
0xa0: {  	[tilespmem:s20+$0xFFFFFFF0] =	vst v1  }
0xa1: {  	v1 =	vor.u32 $0x3, v4;
	v5 =	vld.idx.msk [tilespmem:v4+s17+$0x0], $0xffff  }
0xa2: {  	v3 =	vld.idx.msk [tilespmem:v3+s17+$0x0], $0xffff  }
0xa3: {  	v6 =	vor.u32 $0x4, v4  }
0xa4: {  	v2 =	vld.idx.msk [tilespmem:v2+s17+$0x0], $0xffff  }
0xa5: {  	v7 =	vor.u32 $0x5, v4  }
0xa6: {  	v1 =	vld.idx.msk [tilespmem:v1+s17+$0x0], $0xffff  }
0xa7: {  	v8 =	vor.u32 $0x6, v4;
	v3 =	vadd.f32 v3, v5  }
0xa8: {  	v5 =	vld.idx.msk [tilespmem:v6+s17+$0x0], $0xffff  }
0xa9: {  	v6 =	vor.u32 $0x7, v4;
	v2 =	vadd.f32 v2, v3  }
0xaa: {  	v3 =	vld.idx.msk [tilespmem:v7+s17+$0x0], $0xffff  }
0xab: {  	v7 =	vor.u32 $0x8, v4;
	v1 =	vadd.f32 v1, v2  }
0xac: {  	v2 =	vld.idx.msk [tilespmem:v8+s17+$0x0], $0xffff  }
0xad: {  	v8 =	vor.u32 $0x9, v4;
	v1 =	vadd.f32 v5, v1  }
0xae: {  	v5 =	vld.idx.msk [tilespmem:v6+s17+$0x0], $0xffff  }
0xaf: {  	v6 =	vor.u32 $0xA, v4;
	v1 =	vadd.f32 v3, v1  }
0xb0: {  	v3 =	vld.idx.msk [tilespmem:v7+s17+$0x0], $0xffff  }
0xb1: {  	v7 =	vor.u32 $0xB, v4;
	v1 =	vadd.f32 v2, v1  }
0xb2: {  	v2 =	vld.idx.msk [tilespmem:v8+s17+$0x0], $0xffff  }
0xb3: {  	v8 =	vor.u32 $0xC, v4;
	v1 =	vadd.f32 v5, v1  }
0xb4: {  	v5 =	vld.idx.msk [tilespmem:v6+s17+$0x0], $0xffff  }
0xb5: {  	v6 =	vor.u32 $0xD, v4;
	v1 =	vadd.f32 v3, v1  }
0xb6: {  	v3 =	vld.idx.msk [tilespmem:v7+s17+$0x0], $0xffff  }
0xb7: {  	v7 =	vor.u32 $0xE, v4;
	v1 =	vadd.f32 v2, v1  }
0xb8: {  	v2 =	vld.idx.msk [tilespmem:v8+s17+$0x0], $0xffff  }
0xb9: {  	v4 =	vor.u32 $0xF, v4;
	v1 =	vadd.f32 v5, v1  }
0xba: {  	v5 =	vld.idx.msk [tilespmem:v6+s17+$0x0], $0xffff  }
0xbb: {  	v1 =	vadd.f32 v3, v1  }
0xbc: {  	v3 =	vld.idx.msk [tilespmem:v7+s17+$0x0], $0xffff  }
0xbd: {  	v1 =	vadd.f32 v2, v1  }
0xbe: {  	s31 =	simm.s32 $0x20;
	v7 =	vld.idx.msk [tilespmem:v4+s17+$0x0], $0xffff  }
0xbf: {  	v2 =	vmov s31;
	v4 =	vadd.f32 v5, v1  }
0xc0: {  	v1 =	vshll.u32 v2, $0x4  }
0xc1: {  	v1 =	vor.u32 v0, v1;
	v8 =	vadd.f32 v3, v4  }
0xc2: {  	v6 =	vor.u32 $0x1, v1;
	v5 =	vor.u32 $0x2, v1;
	v4 =	vor.u32 $0x3, v1  }
0xc3: {  	s22 =	simm.s32 $0x2;
	s23 =	simm.s32 $0x1A610;
	s21 =	simm.s32 $0x30;
	v3 =	vor.u32 $0x4, v1;
	v2 =	vor.u32 $0x5, v1;
	v7 =	vadd.f32 v7, v8  }
.LBB2_4:
0xc4: {  	s22 =	sadd.s32 $0x2, s22;
	v8 =	vor.u32 $0x6, v1;
	v9 =	vor.u32 $0x7, v1;
	v10 =	vor.u32 $0x8, v1;
	s20 =	sadd.s32 $0x20, s20  }
0xc5: {  	v11 =	vor.u32 $0x9, v1;
	v12 =	vor.u32 $0xA, v1;
	v13 =	vor.u32 $0xB, v1;
	p0 =	slt.u32 s22, $0x1E;
	[tilespmem:s23+$0x0] =	vst v7;
	s23 =	smov.u32 s20  }
0xc6: {  	v14 =	vor.u32 $0xC, v1;
	v15 =	vor.u32 $0xD, v1;
	v16 =	vor.u32 $0xE, v1;
	v7 =	vld.idx.msk [tilespmem:v1+s17+$0x0], $0xffff  }
0xc7: {  	v1 =	vor.u32 $0xF, v1;
	v6 =	vld.idx.msk [tilespmem:v6+s17+$0x0], $0xffff;
	_ =	sdelay $0x1  }
0xc8: {  	v5 =	vld.idx.msk [tilespmem:v5+s17+$0x0], $0xffff;
	_ =	sdelay $0x1  }
0xc9: {  	v4 =	vld.idx.msk [tilespmem:v4+s17+$0x0], $0xffff;
	_ =	sdelay $0x1  }
0xca: {  	v6 =	vadd.f32 v6, v7;
	v3 =	vld.idx.msk [tilespmem:v3+s17+$0x0], $0xffff;
	_ =	sdelay $0x1  }
0xcb: {  	v5 =	vadd.f32 v5, v6;
	v2 =	vld.idx.msk [tilespmem:v2+s17+$0x0], $0xffff;
	_ =	sdelay $0x1  }
0xcc: {  	v4 =	vadd.f32 v4, v5;
	v5 =	vld.idx.msk [tilespmem:v8+s17+$0x0], $0xffff;
	_ =	sdelay $0x1  }
0xcd: {  	v3 =	vadd.f32 v3, v4;
	v4 =	vld.idx.msk [tilespmem:v9+s17+$0x0], $0xffff;
	_ =	sdelay $0x1  }
0xce: {  	v2 =	vadd.f32 v2, v3;
	v3 =	vld.idx.msk [tilespmem:v10+s17+$0x0], $0xffff;
	_ =	sdelay $0x1  }
0xcf: {  	v2 =	vadd.f32 v5, v2;
	v5 =	vld.idx.msk [tilespmem:v11+s17+$0x0], $0xffff;
	_ =	sdelay $0x1  }
0xd0: {  	v2 =	vadd.f32 v4, v2;
	v4 =	vld.idx.msk [tilespmem:v12+s17+$0x0], $0xffff;
	_ =	sdelay $0x1  }
0xd1: {  	v2 =	vadd.f32 v3, v2;
	v3 =	vld.idx.msk [tilespmem:v13+s17+$0x0], $0xffff;
	_ =	sdelay $0x1  }
0xd2: {  	v2 =	vadd.f32 v5, v2;
	v5 =	vld.idx.msk [tilespmem:v14+s17+$0x0], $0xffff;
	_ =	sdelay $0x1  }
0xd3: {  	v2 =	vadd.f32 v4, v2;
	v4 =	vld.idx.msk [tilespmem:v15+s17+$0x0], $0xffff;
	_ =	sdelay $0x1  }
0xd4: {  	v2 =	vadd.f32 v3, v2;
	v3 =	vld.idx.msk [tilespmem:v16+s17+$0x0], $0xffff;
	_ =	sdelay $0x1  }
0xd5: {  	v2 =	vadd.f32 v5, v2;
	v1 =	vld.idx.msk [tilespmem:v1+s17+$0x0], $0xffff  }
0xd6: {  	v5 =	vmov s21  }
0xd7: {  	v2 =	vadd.f32 v4, v2;
	v4 =	vshll.u32 v5, $0x4  }
0xd8: {  	v4 =	vor.u32 v0, v4  }
0xd9: {  	v2 =	vadd.f32 v3, v2;
	v3 =	vor.u32 $0x1, v4;
	_ =	sdelay $0x1  }
0xda: {  	v1 =	vadd.f32 v1, v2;
	v2 =	vor.u32 $0x2, v4;
	_ =	sdelay $0x1  }
0xdb: {  	[tilespmem:s20+$0xFFFFFFF0] =	vst v1;
	v1 =	vor.u32 $0x3, v4  }
0xdc: {  	v5 =	vld.idx.msk [tilespmem:v4+s17+$0x0], $0xffff  }
0xdd: {  	v6 =	vor.u32 $0x4, v4;
	v3 =	vld.idx.msk [tilespmem:v3+s17+$0x0], $0xffff  }
0xde: {  	v2 =	vld.idx.msk [tilespmem:v2+s17+$0x0], $0xffff  }
0xdf: {  	v7 =	vor.u32 $0x5, v4  }
0xe0: {  	v1 =	vld.idx.msk [tilespmem:v1+s17+$0x0], $0xffff  }
0xe1: {  	v8 =	vor.u32 $0x6, v4  }
0xe2: {  	v6 =	vld.idx.msk [tilespmem:v6+s17+$0x0], $0xffff  }
0xe3: {  	v3 =	vadd.f32 v3, v5;
	v5 =	vor.u32 $0x7, v4  }
0xe4: {  	v7 =	vld.idx.msk [tilespmem:v7+s17+$0x0], $0xffff  }
0xe5: {  	v2 =	vadd.f32 v2, v3;
	v3 =	vor.u32 $0x8, v4  }
0xe6: {  	v8 =	vld.idx.msk [tilespmem:v8+s17+$0x0], $0xffff  }
0xe7: {  	v1 =	vadd.f32 v1, v2;
	v2 =	vor.u32 $0x9, v4  }
0xe8: {  	v5 =	vld.idx.msk [tilespmem:v5+s17+$0x0], $0xffff  }
0xe9: {  	v1 =	vadd.f32 v6, v1;
	v6 =	vor.u32 $0xA, v4  }
0xea: {  	v3 =	vld.idx.msk [tilespmem:v3+s17+$0x0], $0xffff  }
0xeb: {  	v1 =	vadd.f32 v7, v1;
	v7 =	vor.u32 $0xB, v4  }
0xec: {  	v2 =	vld.idx.msk [tilespmem:v2+s17+$0x0], $0xffff  }
0xed: {  	v1 =	vadd.f32 v8, v1;
	v8 =	vor.u32 $0xC, v4  }
0xee: {  	v6 =	vld.idx.msk [tilespmem:v6+s17+$0x0], $0xffff  }
0xef: {  	v1 =	vadd.f32 v5, v1;
	v5 =	vor.u32 $0xD, v4  }
0xf0: {  	v7 =	vld.idx.msk [tilespmem:v7+s17+$0x0], $0xffff  }
0xf1: {  	v1 =	vadd.f32 v3, v1;
	v3 =	vor.u32 $0xE, v4  }
0xf2: {  	v8 =	vld.idx.msk [tilespmem:v8+s17+$0x0], $0xffff  }
0xf3: {  	v1 =	vadd.f32 v2, v1;
	v2 =	vor.u32 $0xF, v4  }
0xf4: {  	v4 =	vld.idx.msk [tilespmem:v5+s17+$0x0], $0xffff  }
0xf5: {  	v1 =	vadd.f32 v6, v1  }
0xf6: {  	v3 =	vld.idx.msk [tilespmem:v3+s17+$0x0], $0xffff  }
0xf7: {  	v1 =	vadd.f32 v7, v1  }
0xf8: {  	v7 =	vld.idx.msk [tilespmem:v2+s17+$0x0], $0xffff  }
0xf9: {  	s21 =	sadd.s32 $0x20, s21;
	v1 =	vadd.f32 v8, v1  }
0xfa: {  	s24 =	sadd.s32 $0xFFFFFFF0, s21  }
.Ltmp1:
0xfb: {  	v2 =	vmov s24;
	v4 =	vadd.f32 v4, v1;
	(pc) =	sbr.rel @p0 .LBB2_4-.Ltmp1, $4  }
0xfc: {  	v1 =	vshll.u32 v2, $0x4  }
0xfd: {  	v1 =	vor.u32 v0, v1;
	v8 =	vadd.f32 v3, v4  }
0xfe: {  	v6 =	vor.u32 $0x1, v1;
	v5 =	vor.u32 $0x2, v1;
	v4 =	vor.u32 $0x3, v1  }
0xff: {  	v3 =	vor.u32 $0x4, v1;
	v2 =	vor.u32 $0x5, v1;
	v7 =	vadd.f32 v7, v8  }
0x100: {  	_ =	sdelay $0x2  }
0x101: {  	[tilespmem:s23+$0x0] =	vst v7  }
0x102: {  	v7 =	vld.idx.msk [tilespmem:v1+s17+$0x0], $0xffff  }
0x103: {  	v6 =	vld.idx.msk [tilespmem:v6+s17+$0x0], $0xffff;
	_ =	sdelay $0x1  }
0x104: {  	v5 =	vld.idx.msk [tilespmem:v5+s17+$0x0], $0xffff;
	_ =	sdelay $0x1  }
0x105: {  	v4 =	vld.idx.msk [tilespmem:v4+s17+$0x0], $0xffff  }
0x106: {  	v8 =	vor.u32 $0x6, v1;
	v6 =	vadd.f32 v6, v7  }
0x107: {  	v3 =	vld.idx.msk [tilespmem:v3+s17+$0x0], $0xffff  }
0x108: {  	v32 =	vor.u32 $0x7, v1;
	v5 =	vadd.f32 v5, v6  }
0x109: {  	v2 =	vld.idx.msk [tilespmem:v2+s17+$0x0], $0xffff  }
0x10a: {  	v33 =	vor.u32 $0x8, v1;
	v4 =	vadd.f32 v4, v5  }
0x10b: {  	v34 =	vld.idx.msk [tilespmem:v8+s17+$0x0], $0xffff  }
0x10c: {  	v35 =	vor.u32 $0x9, v1;
	v3 =	vadd.f32 v3, v4  }
0x10d: {  	v36 =	vld.idx.msk [tilespmem:v32+s17+$0x0], $0xffff  }
0x10e: {  	v37 =	vor.u32 $0xA, v1;
	v2 =	vadd.f32 v2, v3  }
0x10f: {  	v3 =	vld.idx.msk [tilespmem:v33+s17+$0x0], $0xffff  }
0x110: {  	v38 =	vor.u32 $0xB, v1;
	v2 =	vadd.f32 v34, v2  }
0x111: {  	v39 =	vld.idx.msk [tilespmem:v35+s17+$0x0], $0xffff  }
0x112: {  	v40 =	vor.u32 $0xC, v1;
	v2 =	vadd.f32 v36, v2  }
0x113: {  	v41 =	vld.idx.msk [tilespmem:v37+s17+$0x0], $0xffff  }
0x114: {  	v42 =	vor.u32 $0xD, v1;
	v2 =	vadd.f32 v3, v2  }
0x115: {  	v3 =	vld.idx.msk [tilespmem:v38+s17+$0x0], $0xffff  }
0x116: {  	v43 =	vor.u32 $0xE, v1;
	v2 =	vadd.f32 v39, v2  }
0x117: {  	v44 =	vld.idx.msk [tilespmem:v40+s17+$0x0], $0xffff  }
0x118: {  	v1 =	vor.u32 $0xF, v1;
	v2 =	vadd.f32 v41, v2  }
0x119: {  	v45 =	vld.idx.msk [tilespmem:v42+s17+$0x0], $0xffff  }
0x11a: {  	v2 =	vadd.f32 v3, v2  }
0x11b: {  	v3 =	vld.idx.msk [tilespmem:v43+s17+$0x0], $0xffff  }
0x11c: {  	v2 =	vadd.f32 v44, v2  }
0x11d: {  	v1 =	vld.idx.msk [tilespmem:v1+s17+$0x0], $0xffff  }
0x11e: {  	v46 =	vmov s21;
	v2 =	vadd.f32 v45, v2  }
0x11f: {  	v47 =	vshll.u32 v46, $0x4  }
0x120: {  	v4 =	vor.u32 v0, v47;
	v2 =	vadd.f32 v3, v2  }
0x121: {  	v3 =	vor.u32 $0x1, v4  }
0x122: {  	v1 =	vadd.f32 v1, v2  }
0x123: {  	s20 =	sadd.s32 $0x20, s20;
	v2 =	vor.u32 $0x2, v4  }
0x124: {  	[tilespmem:s20+$0xFFFFFFF0] =	vst v1  }
0x125: {  	v1 =	vor.u32 $0x3, v4;
	v48 =	vld.idx.msk [tilespmem:v4+s17+$0x0], $0xffff  }
0x126: {  	v3 =	vld.idx.msk [tilespmem:v3+s17+$0x0], $0xffff  }
0x127: {  	v49 =	vor.u32 $0x4, v4  }
0x128: {  	v2 =	vld.idx.msk [tilespmem:v2+s17+$0x0], $0xffff  }
0x129: {  	v50 =	vor.u32 $0x5, v4  }
0x12a: {  	v1 =	vld.idx.msk [tilespmem:v1+s17+$0x0], $0xffff  }
0x12b: {  	v51 =	vor.u32 $0x6, v4;
	v3 =	vadd.f32 v3, v48  }
0x12c: {  	v52 =	vld.idx.msk [tilespmem:v49+s17+$0x0], $0xffff  }
0x12d: {  	v53 =	vor.u32 $0x7, v4;
	v2 =	vadd.f32 v2, v3  }
0x12e: {  	v3 =	vld.idx.msk [tilespmem:v50+s17+$0x0], $0xffff  }
0x12f: {  	v54 =	vor.u32 $0x8, v4;
	v1 =	vadd.f32 v1, v2  }
0x130: {  	v2 =	vld.idx.msk [tilespmem:v51+s17+$0x0], $0xffff  }
0x131: {  	v55 =	vor.u32 $0x9, v4;
	v1 =	vadd.f32 v52, v1  }
0x132: {  	v56 =	vld.idx.msk [tilespmem:v53+s17+$0x0], $0xffff  }
0x133: {  	v57 =	vor.u32 $0xA, v4;
	v1 =	vadd.f32 v3, v1  }
0x134: {  	v3 =	vld.idx.msk [tilespmem:v54+s17+$0x0], $0xffff  }
0x135: {  	v58 =	vor.u32 $0xB, v4;
	v1 =	vadd.f32 v2, v1  }
0x136: {  	v2 =	vld.idx.msk [tilespmem:v55+s17+$0x0], $0xffff  }
0x137: {  	v59 =	vor.u32 $0xC, v4;
	v1 =	vadd.f32 v56, v1  }
0x138: {  	v60 =	vld.idx.msk [tilespmem:v57+s17+$0x0], $0xffff  }
0x139: {  	v61 =	vor.u32 $0xD, v4;
	v1 =	vadd.f32 v3, v1  }
0x13a: {  	v3 =	vld.idx.msk [tilespmem:v58+s17+$0x0], $0xffff  }
0x13b: {  	v62 =	vor.u32 $0xE, v4;
	v1 =	vadd.f32 v2, v1  }
0x13c: {  	v2 =	vld.idx.msk [tilespmem:v59+s17+$0x0], $0xffff  }
0x13d: {  	v4 =	vor.u32 $0xF, v4;
	v1 =	vadd.f32 v60, v1  }
0x13e: {  	v63 =	vld.idx.msk [tilespmem:v61+s17+$0x0], $0xffff  }
0x13f: {  	v1 =	vadd.f32 v3, v1  }
0x140: {  	v3 =	vld.idx.msk [tilespmem:v62+s17+$0x0], $0xffff  }
0x141: {  	v1 =	vadd.f32 v2, v1  }
0x142: {  	v2 =	vld.idx.msk [tilespmem:v4+s17+$0x0], $0xffff  }
0x143: {  	v1 =	vadd.f32 v63, v1;
	_ =	sdelay $0x1  }
0x144: {  	v1 =	vadd.f32 v3, v1;
	_ =	sdelay $0x1  }
0x145: {  	s19 =	sadd.s32 $0x1, s19;
	v1 =	vadd.f32 v2, v1  }
0x146: {  	p0 =	sne.s32 s19, s9  }
.Ltmp2:
0x147: {  	[tilespmem:s20+$0x0] =	vst v1;
	(pc) =	sbr.rel @p0 .LBB2_1-.Ltmp2, $4  }
0x148: {  	[hbm4b:s8+s1] =	stream.linear.scatter [tilespmem:s18], [sflag:$0x2], $0x200, $0x38;
	[tilespmem:$0x1A800] =	vst v63  }
0x149: {  	_ =	swait.ge [sflag:s10], $0x200  }
0x14a: {  	[sflag:s10] =	ssyncset.done $0x0  }
0x14b: {  	[sflag:s10] =	ssyncadd.s32 $0xFFFFFE00  }
0x14c: {  	_ =	sfence.sel $0x180000  }
0x14d: {  	[bflag:$0x0] =	sbarrier.arrive $0xFFFF  }
0x14e: {  	p0 =	sne.s32 s2, $0x0;
	_ =	strace $0x90000047  }
0x14f: {  	s0 =	sadd.s32 @!p0 $0x100000, s0;
	[bflag:$0x2] =	sbarrier.arrive $0xFFFF  }
0x150: {  	[sflag:s0] =	ssyncadd.tile.s32 @!p0 $0x1;
	_ =	shalt  }
.Lfunc_end2:
_tile_overlayer_lowered:
.L_overlay_start_2:
0x151: {  	(tag) =	ssettag $0x2  }
0x152: {  	s0 =	rddreg [dreg:$0x0];
	s2 =	stileid.u32  }
0x153: {  	s1 =	rddreg [dreg:$0x1];
	p0 =	sne.s32 s2, $0x0  }
0x154: {  	s3 =	rddreg [dreg:$0x2];
	[bflag:$0x3] =	sbarrier.arrive $0xFFFF;
	s2 =	simm.s32 @!p0 $0x1C02  }
0x155: {  	[timem:s3], [sflag:s2] =	dma.local @!p0 [hbm:s0], s1  }
0x156: {  	s0 =	simm.s32 @!p0 $0x2  }
0x157: {  	_ =	swait.ge @!p0 [sflag:s0], s1  }
0x158: {  	s1 =	ssub.s32 @!p0 $0x0, s1;
	[sflag:s0] =	ssyncset.done @!p0 $0x0  }
0x159: {  	[sflag:s0] =	ssyncadd.s32 @!p0 s1  }
0x15a: {  	[bflag:$0x3] =	sbarrier.arrive $0xFFFF  }
0x15b: {  	_ =	shalt  }

</sc_bundles>
